<compile_context>
chip_gen: v7x
topology: tpu7x:2x2x1
jax: 0.10.2.dev20260603
libtpu: 0.0.44.dev20260713+nightly
codegen_flags: <defaults>
</compile_context>

<pallas_src>
import functools

import jax
import jax.numpy as jnp
from jax import lax
from jax.experimental import pallas as pl
from jax.experimental.pallas import tpu as pltpu
from jax.experimental.pallas import tpu_sc as plsc

NC = 2
NS = 16
L = 16
NW = NC * NS

LANE = 128
VP = 1024
SUB = VP // LANE


def _mtab_body(emb_ref, w_ref, b_ref, m8_ref, lse_ref):
    m = jax.lax.dot_general(
        emb_ref[...], w_ref[...],
        (((1,), (1,)), ((), ())),
        preferred_element_type=jnp.float32,
    ) + b_ref[...]
    V = m.shape[1]
    for j in range(SUB):
        w = min(LANE, V - j * LANE)
        m8_ref[:, j, :w] = m[:, j * LANE:j * LANE + w]
    mx = jnp.max(m, axis=1, keepdims=True)
    lse_ref[...] = mx + jnp.log(jnp.sum(jnp.exp(m - mx), axis=1, keepdims=True))


def _make_mtab(V):
    return pl.pallas_call(
        _mtab_body,
        out_shape=(
            jax.ShapeDtypeStruct((V, SUB, LANE), jnp.float32),
            jax.ShapeDtypeStruct((V, 1), jnp.float32),
        ),
    )


def _make_gather(V, NTOK, OFF):
    TPT = NTOK // NW
    CH = 32
    assert TPT % CH == 0 and CH % L == 0
    mesh = plsc.VectorSubcoreMesh(core_axis_name="c", subcore_axis_name="s")

    @functools.partial(
        pl.kernel,
        mesh=mesh,
        compiler_params=pltpu.CompilerParams(
            use_tc_tiling_on_sc=False, needs_layout_passes=False),
        out_type=(
            jax.ShapeDtypeStruct((NTOK, SUB, LANE), jnp.float32),
            jax.ShapeDtypeStruct((NW * L,), jnp.float32),
        ),
        scratch_types=[
            pltpu.VMEM((TPT,), jnp.int32),
            pltpu.VMEM((TPT,), jnp.int32),
            pltpu.VMEM((V, 1), jnp.float32),
            pltpu.VMEM((CH, SUB, LANE), jnp.float32),
            pltpu.VMEM((CH, SUB, LANE), jnp.float32),
            pltpu.VMEM((L,), jnp.float32),
            pltpu.SemaphoreType.DMA,
            pltpu.SemaphoreType.DMA,
            pltpu.SemaphoreType.DMA,
            pltpu.SemaphoreType.DMA,
        ],
    )
    def gather_k(m8_hbm, idx_hbm, tgt_hbm, lse_hbm, out_hbm, part_hbm,
                 idx_v, tgt_v, lse_v, rows0_v, rows1_v, acc_v,
                 gsem0, gsem1, osem0, osem1):
        wid = lax.axis_index("s") * NC + lax.axis_index("c")
        base = wid * TPT
        pltpu.sync_copy(idx_hbm.at[pl.ds(OFF + base, TPT)], idx_v)
        pltpu.sync_copy(tgt_hbm.at[pl.ds(OFF + base, TPT)], tgt_v)
        pltpu.sync_copy(lse_hbm, lse_v)
        rows = (rows0_v, rows1_v)
        gsem = (gsem0, gsem1)
        osem = (osem0, osem1)
        NCH = TPT // CH
        acc = jnp.zeros((L,), jnp.float32)
        gcp = [None] * NCH
        ocp = [None] * NCH
        gcp[0] = pltpu.async_copy(
            m8_hbm.at[idx_v.at[pl.ds(0, CH)]], rows[0], gsem[0])
        for c in range(NCH):
            k = c % 2
            if c + 1 < NCH:
                if c >= 1:
                    ocp[c - 1].wait()
                gcp[c + 1] = pltpu.async_copy(
                    m8_hbm.at[idx_v.at[pl.ds((c + 1) * CH, CH)]],
                    rows[1 - k], gsem[1 - k])
            gcp[c].wait()
            ocp[c] = pltpu.async_copy(
                rows[k], out_hbm.at[pl.ds(base + c * CH, CH)], osem[k])
            for g in range(CH // L):
                off = c * CH + g * L
                toks = idx_v[pl.ds(off, L)]
                tgts = tgt_v[pl.ds(off, L)]
                rid = lax.iota(jnp.int32, L) + (g * L)
                tlogit = plsc.load_gather(
                    rows[k], [rid, tgts >> 7, tgts & (LANE - 1)])
                ltok = plsc.load_gather(lse_v, [toks, jnp.zeros((L,), jnp.int32)])
                acc = acc + (ltok - tlogit)
        ocp[NCH - 2].wait()
        ocp[NCH - 1].wait()
        acc_v[...] = acc
        pltpu.sync_copy(acc_v, part_hbm.at[pl.ds(wid * L, L)])

    return gather_k


def _fin_body(in_ref, out_ref, *, V):
    for j in range(SUB):
        w = min(LANE, V - j * LANE)
        xt = jax.lax.transpose(in_ref[:, j, :], (1, 0))
        out_ref[0, pl.ds(j * LANE, w), :] = xt[:w, :]


def _make_finisher(V, Bv, Sv):
    TB = 512
    grid = (Bv, Sv // TB)
    return pl.pallas_call(
        functools.partial(_fin_body, V=V),
        grid=grid,
        in_specs=[pl.BlockSpec(
            (TB, SUB, LANE), lambda b, t: (b * (Sv // TB) + t, 0, 0))],
        out_specs=pl.BlockSpec((1, V, TB), lambda b, t: (b, 0, t)),
        out_shape=jax.ShapeDtypeStruct((Bv, V, Sv), jnp.float32),
    )


def _loss_body(p_ref, o_ref, *, ntok):
    o_ref[...] = jnp.sum(p_ref[...], keepdims=True) * (1.0 / ntok)


def _make_loss(ntok):
    return pl.pallas_call(
        functools.partial(_loss_body, ntok=ntok),
        out_shape=jax.ShapeDtypeStruct((1, 1), jnp.float32),
    )


def kernel(input, target, emb_table, W, b):
    Bv, Sv = input.shape
    V, E = emb_table.shape
    NTOK = Bv * Sv

    m8, lse = _make_mtab(V)(emb_table, W, b.reshape(1, V))
    idx = input.reshape(NTOK)
    tgt = target.reshape(NTOK)
    out8, part = _make_gather(V, NTOK, 0)(m8, idx, tgt, lse)
    logits_t = _make_finisher(V, Bv, Sv)(out8)
    logits = jnp.swapaxes(logits_t, 1, 2)
    loss2d = _make_loss(NTOK)(part.reshape(NW, L))
    return logits, loss2d[0, 0]

# --- scband reference (transcript-rebuilt; emitter-appended) ---
"""Pipeline reference for scband-bigram-model-64072322122080 (READ-ONLY COPY).

The authoritative reference and input builder live on the scoring server;
editing this copy changes nothing except your own understanding.
"""

import jax, jax.numpy as jnp
import numpy as np

VOCAB = 1000
EMB = 128
B, S = 4, 2048

def setup_inputs(seed: int = 0) -> dict:
    key = jax.random.key(seed)
    k1, k2, k3, k4, k5 = jax.random.split(key, 5)
    inp = {}
    inp["input"] = jax.random.randint(k1, (B, S), 0, VOCAB, dtype=jnp.int32)
    inp["target"] = jax.random.randint(k2, (B, S), 0, VOCAB, dtype=jnp.int32)
    # learned params: embedding table, lm_head weight (torch Linear: [out, in]) and bias
    inp["emb_table"] = jax.random.normal(k3, (VOCAB, EMB), dtype=jnp.float32)
    inp["W"] = jax.random.normal(k4, (VOCAB, EMB), dtype=jnp.float32) * (1.0 / np.sqrt(EMB))
    inp["b"] = jax.random.normal(k5, (VOCAB,), dtype=jnp.float32) * 0.01
    return inp

def reference(input, target, emb_table, W, b):
    # token embedding lookup (gather)
    tok_emb = jnp.take(emb_table, input, axis=0)            # [B, S, EMB]
    # lm_head: Linear(emb, vocab)
    logits = jnp.einsum('bse,ve->bsv', tok_emb, W) + b       # [B, S, VOCAB]
    Bv, Sv, C = logits.shape
    flat = logits.reshape(Bv * Sv, C)
    t = target.reshape(-1)
    # cross entropy with mean reduction (matches F.cross_entropy)
    logp = jax.nn.log_softmax(flat, axis=-1)
    nll = -jnp.take_along_axis(logp, t[:, None], axis=1)[:, 0]
    loss = jnp.mean(nll)
    return (logits, loss)

if __name__ == "__main__":
    import jax
    _d = setup_inputs()
    print(jax.jit(kernel)(*tuple(_d.values())))

</pallas_src>

<mosaic_0001>
#map = affine_map<(d0, d1) -> (0, 0, 0)>
#map1 = affine_map<(d0, d1) -> (0)>
#map2 = affine_map<(d0, d1) -> (0, 0)>
module attributes {stable_mosaic.version = 14 : i64} {
  func.func @gather_k(%arg0: i32, %arg1: i32, %arg2: memref<1000x8x128xf32, #tpu.memory_space<hbm>>, %arg3: memref<8192xi32, #tpu.memory_space<hbm>>, %arg4: memref<8192xi32, #tpu.memory_space<hbm>>, %arg5: memref<1000x1xf32, #tpu.memory_space<hbm>>, %arg6: memref<8192x8x128xf32, #tpu.memory_space<hbm>>, %arg7: memref<512xf32, #tpu.memory_space<hbm>>, %arg8: memref<256xi32, #tpu.memory_space<vmem>>, %arg9: memref<256xi32, #tpu.memory_space<vmem>>, %arg10: memref<1000x1xf32, #tpu.memory_space<vmem>>, %arg11: memref<32x8x128xf32, #tpu.memory_space<vmem>>, %arg12: memref<32x8x128xf32, #tpu.memory_space<vmem>>, %arg13: memref<16xf32, #tpu.memory_space<vmem>>, %arg14: memref<!tpu.dma_semaphore, #tpu.memory_space<semaphore_mem>>, %arg15: memref<!tpu.dma_semaphore, #tpu.memory_space<semaphore_mem>>, %arg16: memref<!tpu.dma_semaphore, #tpu.memory_space<semaphore_mem>>, %arg17: memref<!tpu.dma_semaphore, #tpu.memory_space<semaphore_mem>>) attributes {dimension_semantics = [#tpu.dimension_semantics<core_parallel>, #tpu.dimension_semantics<subcore_parallel>], iteration_bounds = array<i64: 2, 16>, scalar_prefetch = 0 : i64, scratch_operands = 10 : i64, tpu.core_type = #tpu.core_type<sc_vector_subcore>, window_params = [{transform_indices = #map}, {transform_indices = #map1}, {transform_indices = #map1}, {transform_indices = #map2}, {transform_indices = #map}, {transform_indices = #map1}]} {
    %mul3A = arith.constant 2 : i32
    %mul3A_0 = arith.muli %arg1, %mul3A : i32
    %add3A = arith.addi %mul3A_0, %arg0 : i32
    %mul3A_1 = arith.constant 256 : i32
    %mul3A_2 = arith.muli %add3A, %mul3A_1 : i32
    %add3A_3 = arith.constant 0 : i32
    %add3A_4 = arith.addi %add3A_3, %mul3A_2 : i32
    "tpu.region"() ({
      %run_scoped3A = tpu.sem_alloc : memref<!tpu.dma_semaphore, #tpu.memory_space<semaphore_mem>>
      %dma_start3A_531 = tpu.memref_slice %arg3[%add3A_4] : memref<8192xi32, #tpu.memory_space<hbm>> -> memref<256xi32, #tpu.memory_space<hbm>>
      %dma_start3A_532 = tpu.memref_slice %arg3[%add3A_4] : memref<8192xi32, #tpu.memory_space<hbm>> -> memref<256xi32, #tpu.memory_space<hbm>>
      tpu.enqueue_dma source(%dma_start3A_532 : memref<256xi32, #tpu.memory_space<hbm>>) target(%arg8 : memref<256xi32, #tpu.memory_space<vmem>>) target_semaphore(%run_scoped3A : memref<!tpu.dma_semaphore, #tpu.memory_space<semaphore_mem>>)
      %dma_wait3A_533 = tpu.memref_slice %arg3[%add3A_4] : memref<8192xi32, #tpu.memory_space<hbm>> -> memref<256xi32, #tpu.memory_space<hbm>>
      %dma_wait3A_534 = tpu.memref_slice %arg3[%add3A_4] : memref<8192xi32, #tpu.memory_space<hbm>> -> memref<256xi32, #tpu.memory_space<hbm>>
      tpu.wait_dma2 semaphore(%run_scoped3A : memref<!tpu.dma_semaphore, #tpu.memory_space<semaphore_mem>>) src(%dma_wait3A_534 : memref<256xi32, #tpu.memory_space<hbm>>) dst(%arg8 : memref<256xi32, #tpu.memory_space<vmem>>)
      tpu.yield
    }) : () -> ()
    %add3A_5 = arith.constant 0 : i32
    %add3A_6 = arith.addi %add3A_5, %mul3A_2 : i32
    "tpu.region"() ({
      %run_scoped3A = tpu.sem_alloc : memref<!tpu.dma_semaphore, #tpu.memory_space<semaphore_mem>>
      %dma_start3A_531 = tpu.memref_slice %arg4[%add3A_6] : memref<8192xi32, #tpu.memory_space<hbm>> -> memref<256xi32, #tpu.memory_space<hbm>>
      %dma_start3A_532 = tpu.memref_slice %arg4[%add3A_6] : memref<8192xi32, #tpu.memory_space<hbm>> -> memref<256xi32, #tpu.memory_space<hbm>>
      tpu.enqueue_dma source(%dma_start3A_532 : memref<256xi32, #tpu.memory_space<hbm>>) target(%arg9 : memref<256xi32, #tpu.memory_space<vmem>>) target_semaphore(%run_scoped3A : memref<!tpu.dma_semaphore, #tpu.memory_space<semaphore_mem>>)
      %dma_wait3A_533 = tpu.memref_slice %arg4[%add3A_6] : memref<8192xi32, #tpu.memory_space<hbm>> -> memref<256xi32, #tpu.memory_space<hbm>>
      %dma_wait3A_534 = tpu.memref_slice %arg4[%add3A_6] : memref<8192xi32, #tpu.memory_space<hbm>> -> memref<256xi32, #tpu.memory_space<hbm>>
      tpu.wait_dma2 semaphore(%run_scoped3A : memref<!tpu.dma_semaphore, #tpu.memory_space<semaphore_mem>>) src(%dma_wait3A_534 : memref<256xi32, #tpu.memory_space<hbm>>) dst(%arg9 : memref<256xi32, #tpu.memory_space<vmem>>)
      tpu.yield
    }) : () -> ()
    "tpu.region"() ({
      %run_scoped3A = tpu.sem_alloc : memref<!tpu.dma_semaphore, #tpu.memory_space<semaphore_mem>>
      tpu.enqueue_dma source(%arg5 : memref<1000x1xf32, #tpu.memory_space<hbm>>) target(%arg10 : memref<1000x1xf32, #tpu.memory_space<vmem>>) target_semaphore(%run_scoped3A : memref<!tpu.dma_semaphore, #tpu.memory_space<semaphore_mem>>)
      tpu.wait_dma2 semaphore(%run_scoped3A : memref<!tpu.dma_semaphore, #tpu.memory_space<semaphore_mem>>) src(%arg5 : memref<1000x1xf32, #tpu.memory_space<hbm>>) dst(%arg10 : memref<1000x1xf32, #tpu.memory_space<vmem>>)
      tpu.yield
    }) : () -> ()
    %broadcast_in_dim3A = arith.constant 0.000000e+00 : f32
    %broadcast_in_dim3A_7 = vector.broadcast %broadcast_in_dim3A : f32 to vector<16xf32>
    %dma_start3A = arith.constant 0 : i32
    %dma_start3A_8 = tpu.memref_slice %arg8[%dma_start3A] : memref<256xi32, #tpu.memory_space<vmem>> -> memref<32xi32, #tpu.memory_space<vmem>>
    %dma_start3A_9 = arith.constant 0 : i32
    %dma_start3A_10 = arith.constant 0 : i32
    %dma_start3A_11 = arith.constant 0 : i32
    %dma_start3A_12 = tpu.memref_slice %arg2[%dma_start3A_9, %dma_start3A_10, %dma_start3A_11] : memref<1000x8x128xf32, #tpu.memory_space<hbm>> -> memref<1000x8x128xf32, #tpu.memory_space<hbm>>
    tpu.enqueue_indirect_dma source(%dma_start3A_12 : memref<1000x8x128xf32, #tpu.memory_space<hbm>>) target(%arg11 : memref<32x8x128xf32, #tpu.memory_space<vmem>>) offsets(%dma_start3A_8 : memref<32xi32, #tpu.memory_space<vmem>>) semaphore(%arg14 : memref<!tpu.dma_semaphore, #tpu.memory_space<semaphore_mem>>)
    %dma_start3A_13 = arith.constant 32 : i32
    %dma_start3A_14 = tpu.memref_slice %arg8[%dma_start3A_13] : memref<256xi32, #tpu.memory_space<vmem>> -> memref<32xi32, #tpu.memory_space<vmem>>
    %dma_start3A_15 = arith.constant 0 : i32
    %dma_start3A_16 = arith.constant 0 : i32
    %dma_start3A_17 = arith.constant 0 : i32
    %dma_start3A_18 = tpu.memref_slice %arg2[%dma_start3A_15, %dma_start3A_16, %dma_start3A_17] : memref<1000x8x128xf32, #tpu.memory_space<hbm>> -> memref<1000x8x128xf32, #tpu.memory_space<hbm>>
    tpu.enqueue_indirect_dma source(%dma_start3A_18 : memref<1000x8x128xf32, #tpu.memory_space<hbm>>) target(%arg12 : memref<32x8x128xf32, #tpu.memory_space<vmem>>) offsets(%dma_start3A_14 : memref<32xi32, #tpu.memory_space<vmem>>) semaphore(%arg15 : memref<!tpu.dma_semaphore, #tpu.memory_space<semaphore_mem>>)
    %dma_wait3A = arith.constant 0 : i32
    %dma_wait3A_19 = tpu.memref_slice %arg8[%dma_wait3A] : memref<256xi32, #tpu.memory_space<vmem>> -> memref<32xi32, #tpu.memory_space<vmem>>
    %dma_wait3A_20 = arith.constant 0 : i32
    %dma_wait3A_21 = arith.constant 0 : i32
    %dma_wait3A_22 = arith.constant 0 : i32
    %dma_wait3A_23 = tpu.memref_slice %arg2[%dma_wait3A_20, %dma_wait3A_21, %dma_wait3A_22] : memref<1000x8x128xf32, #tpu.memory_space<hbm>> -> memref<1000x8x128xf32, #tpu.memory_space<hbm>>
    tpu.wait_indirect_dma semaphore(%arg14 : memref<!tpu.dma_semaphore, #tpu.memory_space<semaphore_mem>>) src(%dma_wait3A_23 : memref<1000x8x128xf32, #tpu.memory_space<hbm>>) dst(%arg11 : memref<32x8x128xf32, #tpu.memory_space<vmem>>)
    %add3A_24 = arith.constant 0 : i32
    %add3A_25 = arith.addi %mul3A_2, %add3A_24 : i32
    %dma_start3A_26 = arith.constant 0 : i32
    %dma_start3A_27 = arith.constant 0 : i32
    %dma_start3A_28 = tpu.memref_slice %arg6[%add3A_25, %dma_start3A_26, %dma_start3A_27] : memref<8192x8x128xf32, #tpu.memory_space<hbm>> -> memref<32x8x128xf32, #tpu.memory_space<hbm>>
    %dma_start3A_29 = arith.constant 0 : i32
    %dma_start3A_30 = arith.constant 0 : i32
    %dma_start3A_31 = tpu.memref_slice %arg6[%add3A_25, %dma_start3A_29, %dma_start3A_30] : memref<8192x8x128xf32, #tpu.memory_space<hbm>> -> memref<32x8x128xf32, #tpu.memory_space<hbm>>
    tpu.enqueue_dma source(%arg11 : memref<32x8x128xf32, #tpu.memory_space<vmem>>) target(%dma_start3A_31 : memref<32x8x128xf32, #tpu.memory_space<hbm>>) target_semaphore(%arg16 : memref<!tpu.dma_semaphore, #tpu.memory_space<semaphore_mem>>)
    %get3A = arith.constant 0 : index
    %get3A_32 = tpu.vector_load %arg8[%get3A] {strides = array<i32>} : memref<256xi32, #tpu.memory_space<vmem>>, vector<16xi32>,
    %get3A_33 = arith.constant 0 : index
    %get3A_34 = tpu.vector_load %arg9[%get3A_33] {strides = array<i32>} : memref<256xi32, #tpu.memory_space<vmem>>, vector<16xi32>,
    %iota3A = tpu.iota {dimensions = array<i32: 0>} : vector<16xi32>
    %add3A_35 = arith.constant 0 : i32
    %add3A_36 = vector.broadcast %add3A_35 : i32 to vector<16xi32>
    %add3A_37 = arith.addi %iota3A, %add3A_36 : vector<16xi32>
    %shift_right_arithmetic3A = arith.constant 7 : i32
    %shift_right_arithmetic3A_38 = vector.broadcast %shift_right_arithmetic3A : i32 to vector<16xi32>
    %shift_right_arithmetic3A_39 = arith.shrsi %get3A_34, %shift_right_arithmetic3A_38 : vector<16xi32>
    %and3A = arith.constant 127 : i32
    %and3A_40 = vector.broadcast %and3A : i32 to vector<16xi32>
    %and3A_41 = arith.andi %get3A_34, %and3A_40 : vector<16xi32>
    %gather3A = tpu.vector_load_idx %arg11[%add3A_37, %shift_right_arithmetic3A_39, %and3A_41] : memref<32x8x128xf32, #tpu.memory_space<vmem>>[vector<16xi32>, vector<16xi32>, vector<16xi32>], vector<16xf32>,
    %broadcast_in_dim3A_42 = arith.constant 0 : i32
    %broadcast_in_dim3A_43 = vector.broadcast %broadcast_in_dim3A_42 : i32 to vector<16xi32>
    %gather3A_44 = tpu.vector_load_idx %arg10[%get3A_32, %broadcast_in_dim3A_43] : memref<1000x1xf32, #tpu.memory_space<vmem>>[vector<16xi32>, vector<16xi32>], vector<16xf32>,
    %sub3A = arith.subf %gather3A_44, %gather3A : vector<16xf32>
    %add3A_45 = arith.addf %broadcast_in_dim3A_7, %sub3A : vector<16xf32>
    %get3A_46 = arith.constant 16 : index
    %get3A_47 = tpu.vector_load %arg8[%get3A_46] {strides = array<i32>} : memref<256xi32, #tpu.memory_space<vmem>>, vector<16xi32>,
    %get3A_48 = arith.constant 16 : index
    %get3A_49 = tpu.vector_load %arg9[%get3A_48] {strides = array<i32>} : memref<256xi32, #tpu.memory_space<vmem>>, vector<16xi32>,
    %iota3A_50 = tpu.iota {dimensions = array<i32: 0>} : vector<16xi32>
    %add3A_51 = arith.constant 16 : i32
    %add3A_52 = vector.broadcast %add3A_51 : i32 to vector<16xi32>
    %add3A_53 = arith.addi %iota3A_50, %add3A_52 : vector<16xi32>
    %shift_right_arithmetic3A_54 = arith.constant 7 : i32
    %shift_right_arithmetic3A_55 = vector.broadcast %shift_right_arithmetic3A_54 : i32 to vector<16xi32>
    %shift_right_arithmetic3A_56 = arith.shrsi %get3A_49, %shift_right_arithmetic3A_55 : vector<16xi32>
    %and3A_57 = arith.constant 127 : i32
    %and3A_58 = vector.broadcast %and3A_57 : i32 to vector<16xi32>
    %and3A_59 = arith.andi %get3A_49, %and3A_58 : vector<16xi32>
    %gather3A_60 = tpu.vector_load_idx %arg11[%add3A_53, %shift_right_arithmetic3A_56, %and3A_59] : memref<32x8x128xf32, #tpu.memory_space<vmem>>[vector<16xi32>, vector<16xi32>, vector<16xi32>], vector<16xf32>,
    %broadcast_in_dim3A_61 = arith.constant 0 : i32
    %broadcast_in_dim3A_62 = vector.broadcast %broadcast_in_dim3A_61 : i32 to vector<16xi32>
    %gather3A_63 = tpu.vector_load_idx %arg10[%get3A_47, %broadcast_in_dim3A_62] : memref<1000x1xf32, #tpu.memory_space<vmem>>[vector<16xi32>, vector<16xi32>], vector<16xf32>,
    %sub3A_64 = arith.subf %gather3A_63, %gather3A_60 : vector<16xf32>
    %add3A_65 = arith.addf %add3A_45, %sub3A_64 : vector<16xf32>
    %dma_wait3A_66 = arith.constant 0 : i32
    %dma_wait3A_67 = arith.constant 0 : i32
    %dma_wait3A_68 = tpu.memref_slice %arg6[%add3A_25, %dma_wait3A_66, %dma_wait3A_67] : memref<8192x8x128xf32, #tpu.memory_space<hbm>> -> memref<32x8x128xf32, #tpu.memory_space<hbm>>
    %dma_wait3A_69 = arith.constant 0 : i32
    %dma_wait3A_70 = arith.constant 0 : i32
    %dma_wait3A_71 = tpu.memref_slice %arg6[%add3A_25, %dma_wait3A_69, %dma_wait3A_70] : memref<8192x8x128xf32, #tpu.memory_space<hbm>> -> memref<32x8x128xf32, #tpu.memory_space<hbm>>
    tpu.wait_dma2 semaphore(%arg16 : memref<!tpu.dma_semaphore, #tpu.memory_space<semaphore_mem>>) src(%arg11 : memref<32x8x128xf32, #tpu.memory_space<vmem>>) dst(%dma_wait3A_71 : memref<32x8x128xf32, #tpu.memory_space<hbm>>)
    %dma_start3A_72 = arith.constant 64 : i32
    %dma_start3A_73 = tpu.memref_slice %arg8[%dma_start3A_72] : memref<256xi32, #tpu.memory_space<vmem>> -> memref<32xi32, #tpu.memory_space<vmem>>
    %dma_start3A_74 = arith.constant 0 : i32
    %dma_start3A_75 = arith.constant 0 : i32
    %dma_start3A_76 = arith.constant 0 : i32
    %dma_start3A_77 = tpu.memref_slice %arg2[%dma_start3A_74, %dma_start3A_75, %dma_start3A_76] : memref<1000x8x128xf32, #tpu.memory_space<hbm>> -> memref<1000x8x128xf32, #tpu.memory_space<hbm>>
    tpu.enqueue_indirect_dma source(%dma_start3A_77 : memref<1000x8x128xf32, #tpu.memory_space<hbm>>) target(%arg11 : memref<32x8x128xf32, #tpu.memory_space<vmem>>) offsets(%dma_start3A_73 : memref<32xi32, #tpu.memory_space<vmem>>) semaphore(%arg14 : memref<!tpu.dma_semaphore, #tpu.memory_space<semaphore_mem>>)
    %dma_wait3A_78 = arith.constant 32 : i32
    %dma_wait3A_79 = tpu.memref_slice %arg8[%dma_wait3A_78] : memref<256xi32, #tpu.memory_space<vmem>> -> memref<32xi32, #tpu.memory_space<vmem>>
    %dma_wait3A_80 = arith.constant 0 : i32
    %dma_wait3A_81 = arith.constant 0 : i32
    %dma_wait3A_82 = arith.constant 0 : i32
    %dma_wait3A_83 = tpu.memref_slice %arg2[%dma_wait3A_80, %dma_wait3A_81, %dma_wait3A_82] : memref<1000x8x128xf32, #tpu.memory_space<hbm>> -> memref<1000x8x128xf32, #tpu.memory_space<hbm>>
    tpu.wait_indirect_dma semaphore(%arg15 : memref<!tpu.dma_semaphore, #tpu.memory_space<semaphore_mem>>) src(%dma_wait3A_83 : memref<1000x8x128xf32, #tpu.memory_space<hbm>>) dst(%arg12 : memref<32x8x128xf32, #tpu.memory_space<vmem>>)
    %add3A_84 = arith.constant 32 : i32
    %add3A_85 = arith.addi %mul3A_2, %add3A_84 : i32
    %dma_start3A_86 = arith.constant 0 : i32
    %dma_start3A_87 = arith.constant 0 : i32
    %dma_start3A_88 = tpu.memref_slice %arg6[%add3A_85, %dma_start3A_86, %dma_start3A_87] : memref<8192x8x128xf32, #tpu.memory_space<hbm>> -> memref<32x8x128xf32, #tpu.memory_space<hbm>>
    %dma_start3A_89 = arith.constant 0 : i32
    %dma_start3A_90 = arith.constant 0 : i32
    %dma_start3A_91 = tpu.memref_slice %arg6[%add3A_85, %dma_start3A_89, %dma_start3A_90] : memref<8192x8x128xf32, #tpu.memory_space<hbm>> -> memref<32x8x128xf32, #tpu.memory_space<hbm>>
    tpu.enqueue_dma source(%arg12 : memref<32x8x128xf32, #tpu.memory_space<vmem>>) target(%dma_start3A_91 : memref<32x8x128xf32, #tpu.memory_space<hbm>>) target_semaphore(%arg17 : memref<!tpu.dma_semaphore, #tpu.memory_space<semaphore_mem>>)
    %get3A_92 = arith.constant 32 : index
    %get3A_93 = tpu.vector_load %arg8[%get3A_92] {strides = array<i32>} : memref<256xi32, #tpu.memory_space<vmem>>, vector<16xi32>,
    %get3A_94 = arith.constant 32 : index
    %get3A_95 = tpu.vector_load %arg9[%get3A_94] {strides = array<i32>} : memref<256xi32, #tpu.memory_space<vmem>>, vector<16xi32>,
    %iota3A_96 = tpu.iota {dimensions = array<i32: 0>} : vector<16xi32>
    %add3A_97 = arith.constant 0 : i32
    %add3A_98 = vector.broadcast %add3A_97 : i32 to vector<16xi32>
    %add3A_99 = arith.addi %iota3A_96, %add3A_98 : vector<16xi32>
    %shift_right_arithmetic3A_100 = arith.constant 7 : i32
    %shift_right_arithmetic3A_101 = vector.broadcast %shift_right_arithmetic3A_100 : i32 to vector<16xi32>
    %shift_right_arithmetic3A_102 = arith.shrsi %get3A_95, %shift_right_arithmetic3A_101 : vector<16xi32>
    %and3A_103 = arith.constant 127 : i32
    %and3A_104 = vector.broadcast %and3A_103 : i32 to vector<16xi32>
    %and3A_105 = arith.andi %get3A_95, %and3A_104 : vector<16xi32>
    %gather3A_106 = tpu.vector_load_idx %arg12[%add3A_99, %shift_right_arithmetic3A_102, %and3A_105] : memref<32x8x128xf32, #tpu.memory_space<vmem>>[vector<16xi32>, vector<16xi32>, vector<16xi32>], vector<16xf32>,
    %broadcast_in_dim3A_107 = arith.constant 0 : i32
    %broadcast_in_dim3A_108 = vector.broadcast %broadcast_in_dim3A_107 : i32 to vector<16xi32>
    %gather3A_109 = tpu.vector_load_idx %arg10[%get3A_93, %broadcast_in_dim3A_108] : memref<1000x1xf32, #tpu.memory_space<vmem>>[vector<16xi32>, vector<16xi32>], vector<16xf32>,
    %sub3A_110 = arith.subf %gather3A_109, %gather3A_106 : vector<16xf32>
    %add3A_111 = arith.addf %add3A_65, %sub3A_110 : vector<16xf32>
    %get3A_112 = arith.constant 48 : index
    %get3A_113 = tpu.vector_load %arg8[%get3A_112] {strides = array<i32>} : memref<256xi32, #tpu.memory_space<vmem>>, vector<16xi32>,
    %get3A_114 = arith.constant 48 : index
    %get3A_115 = tpu.vector_load %arg9[%get3A_114] {strides = array<i32>} : memref<256xi32, #tpu.memory_space<vmem>>, vector<16xi32>,
    %iota3A_116 = tpu.iota {dimensions = array<i32: 0>} : vector<16xi32>
    %add3A_117 = arith.constant 16 : i32
    %add3A_118 = vector.broadcast %add3A_117 : i32 to vector<16xi32>
    %add3A_119 = arith.addi %iota3A_116, %add3A_118 : vector<16xi32>
    %shift_right_arithmetic3A_120 = arith.constant 7 : i32
    %shift_right_arithmetic3A_121 = vector.broadcast %shift_right_arithmetic3A_120 : i32 to vector<16xi32>
    %shift_right_arithmetic3A_122 = arith.shrsi %get3A_115, %shift_right_arithmetic3A_121 : vector<16xi32>
    %and3A_123 = arith.constant 127 : i32
    %and3A_124 = vector.broadcast %and3A_123 : i32 to vector<16xi32>
    %and3A_125 = arith.andi %get3A_115, %and3A_124 : vector<16xi32>
    %gather3A_126 = tpu.vector_load_idx %arg12[%add3A_119, %shift_right_arithmetic3A_122, %and3A_125] : memref<32x8x128xf32, #tpu.memory_space<vmem>>[vector<16xi32>, vector<16xi32>, vector<16xi32>], vector<16xf32>,
    %broadcast_in_dim3A_127 = arith.constant 0 : i32
    %broadcast_in_dim3A_128 = vector.broadcast %broadcast_in_dim3A_127 : i32 to vector<16xi32>
    %gather3A_129 = tpu.vector_load_idx %arg10[%get3A_113, %broadcast_in_dim3A_128] : memref<1000x1xf32, #tpu.memory_space<vmem>>[vector<16xi32>, vector<16xi32>], vector<16xf32>,
    %sub3A_130 = arith.subf %gather3A_129, %gather3A_126 : vector<16xf32>
    %add3A_131 = arith.addf %add3A_111, %sub3A_130 : vector<16xf32>
    %dma_wait3A_132 = arith.constant 0 : i32
    %dma_wait3A_133 = arith.constant 0 : i32
    %dma_wait3A_134 = tpu.memref_slice %arg6[%add3A_85, %dma_wait3A_132, %dma_wait3A_133] : memref<8192x8x128xf32, #tpu.memory_space<hbm>> -> memref<32x8x128xf32, #tpu.memory_space<hbm>>
    %dma_wait3A_135 = arith.constant 0 : i32
    %dma_wait3A_136 = arith.constant 0 : i32
    %dma_wait3A_137 = tpu.memref_slice %arg6[%add3A_85, %dma_wait3A_135, %dma_wait3A_136] : memref<8192x8x128xf32, #tpu.memory_space<hbm>> -> memref<32x8x128xf32, #tpu.memory_space<hbm>>
    tpu.wait_dma2 semaphore(%arg17 : memref<!tpu.dma_semaphore, #tpu.memory_space<semaphore_mem>>) src(%arg12 : memref<32x8x128xf32, #tpu.memory_space<vmem>>) dst(%dma_wait3A_137 : memref<32x8x128xf32, #tpu.memory_space<hbm>>)
    %dma_start3A_138 = arith.constant 96 : i32
    %dma_start3A_139 = tpu.memref_slice %arg8[%dma_start3A_138] : memref<256xi32, #tpu.memory_space<vmem>> -> memref<32xi32, #tpu.memory_space<vmem>>
    %dma_start3A_140 = arith.constant 0 : i32
    %dma_start3A_141 = arith.constant 0 : i32
    %dma_start3A_142 = arith.constant 0 : i32
    %dma_start3A_143 = tpu.memref_slice %arg2[%dma_start3A_140, %dma_start3A_141, %dma_start3A_142] : memref<1000x8x128xf32, #tpu.memory_space<hbm>> -> memref<1000x8x128xf32, #tpu.memory_space<hbm>>
    tpu.enqueue_indirect_dma source(%dma_start3A_143 : memref<1000x8x128xf32, #tpu.memory_space<hbm>>) target(%arg12 : memref<32x8x128xf32, #tpu.memory_space<vmem>>) offsets(%dma_start3A_139 : memref<32xi32, #tpu.memory_space<vmem>>) semaphore(%arg15 : memref<!tpu.dma_semaphore, #tpu.memory_space<semaphore_mem>>)
    %dma_wait3A_144 = arith.constant 64 : i32
    %dma_wait3A_145 = tpu.memref_slice %arg8[%dma_wait3A_144] : memref<256xi32, #tpu.memory_space<vmem>> -> memref<32xi32, #tpu.memory_space<vmem>>
    %dma_wait3A_146 = arith.constant 0 : i32
    %dma_wait3A_147 = arith.constant 0 : i32
    %dma_wait3A_148 = arith.constant 0 : i32
    %dma_wait3A_149 = tpu.memref_slice %arg2[%dma_wait3A_146, %dma_wait3A_147, %dma_wait3A_148] : memref<1000x8x128xf32, #tpu.memory_space<hbm>> -> memref<1000x8x128xf32, #tpu.memory_space<hbm>>
    tpu.wait_indirect_dma semaphore(%arg14 : memref<!tpu.dma_semaphore, #tpu.memory_space<semaphore_mem>>) src(%dma_wait3A_149 : memref<1000x8x128xf32, #tpu.memory_space<hbm>>) dst(%arg11 : memref<32x8x128xf32, #tpu.memory_space<vmem>>)
    %add3A_150 = arith.constant 64 : i32
    %add3A_151 = arith.addi %mul3A_2, %add3A_150 : i32
    %dma_start3A_152 = arith.constant 0 : i32
    %dma_start3A_153 = arith.constant 0 : i32
    %dma_start3A_154 = tpu.memref_slice %arg6[%add3A_151, %dma_start3A_152, %dma_start3A_153] : memref<8192x8x128xf32, #tpu.memory_space<hbm>> -> memref<32x8x128xf32, #tpu.memory_space<hbm>>
    %dma_start3A_155 = arith.constant 0 : i32
    %dma_start3A_156 = arith.constant 0 : i32
    %dma_start3A_157 = tpu.memref_slice %arg6[%add3A_151, %dma_start3A_155, %dma_start3A_156] : memref<8192x8x128xf32, #tpu.memory_space<hbm>> -> memref<32x8x128xf32, #tpu.memory_space<hbm>>
    tpu.enqueue_dma source(%arg11 : memref<32x8x128xf32, #tpu.memory_space<vmem>>) target(%dma_start3A_157 : memref<32x8x128xf32, #tpu.memory_space<hbm>>) target_semaphore(%arg16 : memref<!tpu.dma_semaphore, #tpu.memory_space<semaphore_mem>>)
    %get3A_158 = arith.constant 64 : index
    %get3A_159 = tpu.vector_load %arg8[%get3A_158] {strides = array<i32>} : memref<256xi32, #tpu.memory_space<vmem>>, vector<16xi32>,
    %get3A_160 = arith.constant 64 : index
    %get3A_161 = tpu.vector_load %arg9[%get3A_160] {strides = array<i32>} : memref<256xi32, #tpu.memory_space<vmem>>, vector<16xi32>,
    %iota3A_162 = tpu.iota {dimensions = array<i32: 0>} : vector<16xi32>
    %add3A_163 = arith.constant 0 : i32
    %add3A_164 = vector.broadcast %add3A_163 : i32 to vector<16xi32>
    %add3A_165 = arith.addi %iota3A_162, %add3A_164 : vector<16xi32>
    %shift_right_arithmetic3A_166 = arith.constant 7 : i32
    %shift_right_arithmetic3A_167 = vector.broadcast %shift_right_arithmetic3A_166 : i32 to vector<16xi32>
    %shift_right_arithmetic3A_168 = arith.shrsi %get3A_161, %shift_right_arithmetic3A_167 : vector<16xi32>
    %and3A_169 = arith.constant 127 : i32
    %and3A_170 = vector.broadcast %and3A_169 : i32 to vector<16xi32>
    %and3A_171 = arith.andi %get3A_161, %and3A_170 : vector<16xi32>
    %gather3A_172 = tpu.vector_load_idx %arg11[%add3A_165, %shift_right_arithmetic3A_168, %and3A_171] : memref<32x8x128xf32, #tpu.memory_space<vmem>>[vector<16xi32>, vector<16xi32>, vector<16xi32>], vector<16xf32>,
    %broadcast_in_dim3A_173 = arith.constant 0 : i32
    %broadcast_in_dim3A_174 = vector.broadcast %broadcast_in_dim3A_173 : i32 to vector<16xi32>
    %gather3A_175 = tpu.vector_load_idx %arg10[%get3A_159, %broadcast_in_dim3A_174] : memref<1000x1xf32, #tpu.memory_space<vmem>>[vector<16xi32>, vector<16xi32>], vector<16xf32>,
    %sub3A_176 = arith.subf %gather3A_175, %gather3A_172 : vector<16xf32>
    %add3A_177 = arith.addf %add3A_131, %sub3A_176 : vector<16xf32>
    %get3A_178 = arith.constant 80 : index
    %get3A_179 = tpu.vector_load %arg8[%get3A_178] {strides = array<i32>} : memref<256xi32, #tpu.memory_space<vmem>>, vector<16xi32>,
    %get3A_180 = arith.constant 80 : index
    %get3A_181 = tpu.vector_load %arg9[%get3A_180] {strides = array<i32>} : memref<256xi32, #tpu.memory_space<vmem>>, vector<16xi32>,
    %iota3A_182 = tpu.iota {dimensions = array<i32: 0>} : vector<16xi32>
    %add3A_183 = arith.constant 16 : i32
    %add3A_184 = vector.broadcast %add3A_183 : i32 to vector<16xi32>
    %add3A_185 = arith.addi %iota3A_182, %add3A_184 : vector<16xi32>
    %shift_right_arithmetic3A_186 = arith.constant 7 : i32
    %shift_right_arithmetic3A_187 = vector.broadcast %shift_right_arithmetic3A_186 : i32 to vector<16xi32>
    %shift_right_arithmetic3A_188 = arith.shrsi %get3A_181, %shift_right_arithmetic3A_187 : vector<16xi32>
    %and3A_189 = arith.constant 127 : i32
    %and3A_190 = vector.broadcast %and3A_189 : i32 to vector<16xi32>
    %and3A_191 = arith.andi %get3A_181, %and3A_190 : vector<16xi32>
    %gather3A_192 = tpu.vector_load_idx %arg11[%add3A_185, %shift_right_arithmetic3A_188, %and3A_191] : memref<32x8x128xf32, #tpu.memory_space<vmem>>[vector<16xi32>, vector<16xi32>, vector<16xi32>], vector<16xf32>,
    %broadcast_in_dim3A_193 = arith.constant 0 : i32
    %broadcast_in_dim3A_194 = vector.broadcast %broadcast_in_dim3A_193 : i32 to vector<16xi32>
    %gather3A_195 = tpu.vector_load_idx %arg10[%get3A_179, %broadcast_in_dim3A_194] : memref<1000x1xf32, #tpu.memory_space<vmem>>[vector<16xi32>, vector<16xi32>], vector<16xf32>,
    %sub3A_196 = arith.subf %gather3A_195, %gather3A_192 : vector<16xf32>
    %add3A_197 = arith.addf %add3A_177, %sub3A_196 : vector<16xf32>
    %dma_wait3A_198 = arith.constant 0 : i32
    %dma_wait3A_199 = arith.constant 0 : i32
    %dma_wait3A_200 = tpu.memref_slice %arg6[%add3A_151, %dma_wait3A_198, %dma_wait3A_199] : memref<8192x8x128xf32, #tpu.memory_space<hbm>> -> memref<32x8x128xf32, #tpu.memory_space<hbm>>
    %dma_wait3A_201 = arith.constant 0 : i32
    %dma_wait3A_202 = arith.constant 0 : i32
    %dma_wait3A_203 = tpu.memref_slice %arg6[%add3A_151, %dma_wait3A_201, %dma_wait3A_202] : memref<8192x8x128xf32, #tpu.memory_space<hbm>> -> memref<32x8x128xf32, #tpu.memory_space<hbm>>
    tpu.wait_dma2 semaphore(%arg16 : memref<!tpu.dma_semaphore, #tpu.memory_space<semaphore_mem>>) src(%arg11 : memref<32x8x128xf32, #tpu.memory_space<vmem>>) dst(%dma_wait3A_203 : memref<32x8x128xf32, #tpu.memory_space<hbm>>)
    %dma_start3A_204 = arith.constant 128 : i32
    %dma_start3A_205 = tpu.memref_slice %arg8[%dma_start3A_204] : memref<256xi32, #tpu.memory_space<vmem>> -> memref<32xi32, #tpu.memory_space<vmem>>
    %dma_start3A_206 = arith.constant 0 : i32
    %dma_start3A_207 = arith.constant 0 : i32
    %dma_start3A_208 = arith.constant 0 : i32
    %dma_start3A_209 = tpu.memref_slice %arg2[%dma_start3A_206, %dma_start3A_207, %dma_start3A_208] : memref<1000x8x128xf32, #tpu.memory_space<hbm>> -> memref<1000x8x128xf32, #tpu.memory_space<hbm>>
    tpu.enqueue_indirect_dma source(%dma_start3A_209 : memref<1000x8x128xf32, #tpu.memory_space<hbm>>) target(%arg11 : memref<32x8x128xf32, #tpu.memory_space<vmem>>) offsets(%dma_start3A_205 : memref<32xi32, #tpu.memory_space<vmem>>) semaphore(%arg14 : memref<!tpu.dma_semaphore, #tpu.memory_space<semaphore_mem>>)
    %dma_wait3A_210 = arith.constant 96 : i32
    %dma_wait3A_211 = tpu.memref_slice %arg8[%dma_wait3A_210] : memref<256xi32, #tpu.memory_space<vmem>> -> memref<32xi32, #tpu.memory_space<vmem>>
    %dma_wait3A_212 = arith.constant 0 : i32
    %dma_wait3A_213 = arith.constant 0 : i32
    %dma_wait3A_214 = arith.constant 0 : i32
    %dma_wait3A_215 = tpu.memref_slice %arg2[%dma_wait3A_212, %dma_wait3A_213, %dma_wait3A_214] : memref<1000x8x128xf32, #tpu.memory_space<hbm>> -> memref<1000x8x128xf32, #tpu.memory_space<hbm>>
    tpu.wait_indirect_dma semaphore(%arg15 : memref<!tpu.dma_semaphore, #tpu.memory_space<semaphore_mem>>) src(%dma_wait3A_215 : memref<1000x8x128xf32, #tpu.memory_space<hbm>>) dst(%arg12 : memref<32x8x128xf32, #tpu.memory_space<vmem>>)
    %add3A_216 = arith.constant 96 : i32
    %add3A_217 = arith.addi %mul3A_2, %add3A_216 : i32
    %dma_start3A_218 = arith.constant 0 : i32
    %dma_start3A_219 = arith.constant 0 : i32
    %dma_start3A_220 = tpu.memref_slice %arg6[%add3A_217, %dma_start3A_218, %dma_start3A_219] : memref<8192x8x128xf32, #tpu.memory_space<hbm>> -> memref<32x8x128xf32, #tpu.memory_space<hbm>>
    %dma_start3A_221 = arith.constant 0 : i32
    %dma_start3A_222 = arith.constant 0 : i32
    %dma_start3A_223 = tpu.memref_slice %arg6[%add3A_217, %dma_start3A_221, %dma_start3A_222] : memref<8192x8x128xf32, #tpu.memory_space<hbm>> -> memref<32x8x128xf32, #tpu.memory_space<hbm>>
    tpu.enqueue_dma source(%arg12 : memref<32x8x128xf32, #tpu.memory_space<vmem>>) target(%dma_start3A_223 : memref<32x8x128xf32, #tpu.memory_space<hbm>>) target_semaphore(%arg17 : memref<!tpu.dma_semaphore, #tpu.memory_space<semaphore_mem>>)
    %get3A_224 = arith.constant 96 : index
    %get3A_225 = tpu.vector_load %arg8[%get3A_224] {strides = array<i32>} : memref<256xi32, #tpu.memory_space<vmem>>, vector<16xi32>,
    %get3A_226 = arith.constant 96 : index
    %get3A_227 = tpu.vector_load %arg9[%get3A_226] {strides = array<i32>} : memref<256xi32, #tpu.memory_space<vmem>>, vector<16xi32>,
    %iota3A_228 = tpu.iota {dimensions = array<i32: 0>} : vector<16xi32>
    %add3A_229 = arith.constant 0 : i32
    %add3A_230 = vector.broadcast %add3A_229 : i32 to vector<16xi32>
    %add3A_231 = arith.addi %iota3A_228, %add3A_230 : vector<16xi32>
    %shift_right_arithmetic3A_232 = arith.constant 7 : i32
    %shift_right_arithmetic3A_233 = vector.broadcast %shift_right_arithmetic3A_232 : i32 to vector<16xi32>
    %shift_right_arithmetic3A_234 = arith.shrsi %get3A_227, %shift_right_arithmetic3A_233 : vector<16xi32>
    %and3A_235 = arith.constant 127 : i32
    %and3A_236 = vector.broadcast %and3A_235 : i32 to vector<16xi32>
    %and3A_237 = arith.andi %get3A_227, %and3A_236 : vector<16xi32>
    %gather3A_238 = tpu.vector_load_idx %arg12[%add3A_231, %shift_right_arithmetic3A_234, %and3A_237] : memref<32x8x128xf32, #tpu.memory_space<vmem>>[vector<16xi32>, vector<16xi32>, vector<16xi32>], vector<16xf32>,
    %broadcast_in_dim3A_239 = arith.constant 0 : i32
    %broadcast_in_dim3A_240 = vector.broadcast %broadcast_in_dim3A_239 : i32 to vector<16xi32>
    %gather3A_241 = tpu.vector_load_idx %arg10[%get3A_225, %broadcast_in_dim3A_240] : memref<1000x1xf32, #tpu.memory_space<vmem>>[vector<16xi32>, vector<16xi32>], vector<16xf32>,
    %sub3A_242 = arith.subf %gather3A_241, %gather3A_238 : vector<16xf32>
    %add3A_243 = arith.addf %add3A_197, %sub3A_242 : vector<16xf32>
    %get3A_244 = arith.constant 112 : index
    %get3A_245 = tpu.vector_load %arg8[%get3A_244] {strides = array<i32>} : memref<256xi32, #tpu.memory_space<vmem>>, vector<16xi32>,
    %get3A_246 = arith.constant 112 : index
    %get3A_247 = tpu.vector_load %arg9[%get3A_246] {strides = array<i32>} : memref<256xi32, #tpu.memory_space<vmem>>, vector<16xi32>,
    %iota3A_248 = tpu.iota {dimensions = array<i32: 0>} : vector<16xi32>
    %add3A_249 = arith.constant 16 : i32
    %add3A_250 = vector.broadcast %add3A_249 : i32 to vector<16xi32>
    %add3A_251 = arith.addi %iota3A_248, %add3A_250 : vector<16xi32>
    %shift_right_arithmetic3A_252 = arith.constant 7 : i32
    %shift_right_arithmetic3A_253 = vector.broadcast %shift_right_arithmetic3A_252 : i32 to vector<16xi32>
    %shift_right_arithmetic3A_254 = arith.shrsi %get3A_247, %shift_right_arithmetic3A_253 : vector<16xi32>
    %and3A_255 = arith.constant 127 : i32
    %and3A_256 = vector.broadcast %and3A_255 : i32 to vector<16xi32>
    %and3A_257 = arith.andi %get3A_247, %and3A_256 : vector<16xi32>
    %gather3A_258 = tpu.vector_load_idx %arg12[%add3A_251, %shift_right_arithmetic3A_254, %and3A_257] : memref<32x8x128xf32, #tpu.memory_space<vmem>>[vector<16xi32>, vector<16xi32>, vector<16xi32>], vector<16xf32>,
    %broadcast_in_dim3A_259 = arith.constant 0 : i32
    %broadcast_in_dim3A_260 = vector.broadcast %broadcast_in_dim3A_259 : i32 to vector<16xi32>
    %gather3A_261 = tpu.vector_load_idx %arg10[%get3A_245, %broadcast_in_dim3A_260] : memref<1000x1xf32, #tpu.memory_space<vmem>>[vector<16xi32>, vector<16xi32>], vector<16xf32>,
    %sub3A_262 = arith.subf %gather3A_261, %gather3A_258 : vector<16xf32>
    %add3A_263 = arith.addf %add3A_243, %sub3A_262 : vector<16xf32>
    %dma_wait3A_264 = arith.constant 0 : i32
    %dma_wait3A_265 = arith.constant 0 : i32
    %dma_wait3A_266 = tpu.memref_slice %arg6[%add3A_217, %dma_wait3A_264, %dma_wait3A_265] : memref<8192x8x128xf32, #tpu.memory_space<hbm>> -> memref<32x8x128xf32, #tpu.memory_space<hbm>>
    %dma_wait3A_267 = arith.constant 0 : i32
    %dma_wait3A_268 = arith.constant 0 : i32
    %dma_wait3A_269 = tpu.memref_slice %arg6[%add3A_217, %dma_wait3A_267, %dma_wait3A_268] : memref<8192x8x128xf32, #tpu.memory_space<hbm>> -> memref<32x8x128xf32, #tpu.memory_space<hbm>>
    tpu.wait_dma2 semaphore(%arg17 : memref<!tpu.dma_semaphore, #tpu.memory_space<semaphore_mem>>) src(%arg12 : memref<32x8x128xf32, #tpu.memory_space<vmem>>) dst(%dma_wait3A_269 : memref<32x8x128xf32, #tpu.memory_space<hbm>>)
    %dma_start3A_270 = arith.constant 160 : i32
    %dma_start3A_271 = tpu.memref_slice %arg8[%dma_start3A_270] : memref<256xi32, #tpu.memory_space<vmem>> -> memref<32xi32, #tpu.memory_space<vmem>>
    %dma_start3A_272 = arith.constant 0 : i32
    %dma_start3A_273 = arith.constant 0 : i32
    %dma_start3A_274 = arith.constant 0 : i32
    %dma_start3A_275 = tpu.memref_slice %arg2[%dma_start3A_272, %dma_start3A_273, %dma_start3A_274] : memref<1000x8x128xf32, #tpu.memory_space<hbm>> -> memref<1000x8x128xf32, #tpu.memory_space<hbm>>
    tpu.enqueue_indirect_dma source(%dma_start3A_275 : memref<1000x8x128xf32, #tpu.memory_space<hbm>>) target(%arg12 : memref<32x8x128xf32, #tpu.memory_space<vmem>>) offsets(%dma_start3A_271 : memref<32xi32, #tpu.memory_space<vmem>>) semaphore(%arg15 : memref<!tpu.dma_semaphore, #tpu.memory_space<semaphore_mem>>)
    %dma_wait3A_276 = arith.constant 128 : i32
    %dma_wait3A_277 = tpu.memref_slice %arg8[%dma_wait3A_276] : memref<256xi32, #tpu.memory_space<vmem>> -> memref<32xi32, #tpu.memory_space<vmem>>
    %dma_wait3A_278 = arith.constant 0 : i32
    %dma_wait3A_279 = arith.constant 0 : i32
    %dma_wait3A_280 = arith.constant 0 : i32
    %dma_wait3A_281 = tpu.memref_slice %arg2[%dma_wait3A_278, %dma_wait3A_279, %dma_wait3A_280] : memref<1000x8x128xf32, #tpu.memory_space<hbm>> -> memref<1000x8x128xf32, #tpu.memory_space<hbm>>
    tpu.wait_indirect_dma semaphore(%arg14 : memref<!tpu.dma_semaphore, #tpu.memory_space<semaphore_mem>>) src(%dma_wait3A_281 : memref<1000x8x128xf32, #tpu.memory_space<hbm>>) dst(%arg11 : memref<32x8x128xf32, #tpu.memory_space<vmem>>)
    %add3A_282 = arith.constant 128 : i32
    %add3A_283 = arith.addi %mul3A_2, %add3A_282 : i32
    %dma_start3A_284 = arith.constant 0 : i32
    %dma_start3A_285 = arith.constant 0 : i32
    %dma_start3A_286 = tpu.memref_slice %arg6[%add3A_283, %dma_start3A_284, %dma_start3A_285] : memref<8192x8x128xf32, #tpu.memory_space<hbm>> -> memref<32x8x128xf32, #tpu.memory_space<hbm>>
    %dma_start3A_287 = arith.constant 0 : i32
    %dma_start3A_288 = arith.constant 0 : i32
    %dma_start3A_289 = tpu.memref_slice %arg6[%add3A_283, %dma_start3A_287, %dma_start3A_288] : memref<8192x8x128xf32, #tpu.memory_space<hbm>> -> memref<32x8x128xf32, #tpu.memory_space<hbm>>
    tpu.enqueue_dma source(%arg11 : memref<32x8x128xf32, #tpu.memory_space<vmem>>) target(%dma_start3A_289 : memref<32x8x128xf32, #tpu.memory_space<hbm>>) target_semaphore(%arg16 : memref<!tpu.dma_semaphore, #tpu.memory_space<semaphore_mem>>)
    %get3A_290 = arith.constant 128 : index
    %get3A_291 = tpu.vector_load %arg8[%get3A_290] {strides = array<i32>} : memref<256xi32, #tpu.memory_space<vmem>>, vector<16xi32>,
    %get3A_292 = arith.constant 128 : index
    %get3A_293 = tpu.vector_load %arg9[%get3A_292] {strides = array<i32>} : memref<256xi32, #tpu.memory_space<vmem>>, vector<16xi32>,
    %iota3A_294 = tpu.iota {dimensions = array<i32: 0>} : vector<16xi32>
    %add3A_295 = arith.constant 0 : i32
    %add3A_296 = vector.broadcast %add3A_295 : i32 to vector<16xi32>
    %add3A_297 = arith.addi %iota3A_294, %add3A_296 : vector<16xi32>
    %shift_right_arithmetic3A_298 = arith.constant 7 : i32
    %shift_right_arithmetic3A_299 = vector.broadcast %shift_right_arithmetic3A_298 : i32 to vector<16xi32>
    %shift_right_arithmetic3A_300 = arith.shrsi %get3A_293, %shift_right_arithmetic3A_299 : vector<16xi32>
    %and3A_301 = arith.constant 127 : i32
    %and3A_302 = vector.broadcast %and3A_301 : i32 to vector<16xi32>
    %and3A_303 = arith.andi %get3A_293, %and3A_302 : vector<16xi32>
    %gather3A_304 = tpu.vector_load_idx %arg11[%add3A_297, %shift_right_arithmetic3A_300, %and3A_303] : memref<32x8x128xf32, #tpu.memory_space<vmem>>[vector<16xi32>, vector<16xi32>, vector<16xi32>], vector<16xf32>,
    %broadcast_in_dim3A_305 = arith.constant 0 : i32
    %broadcast_in_dim3A_306 = vector.broadcast %broadcast_in_dim3A_305 : i32 to vector<16xi32>
    %gather3A_307 = tpu.vector_load_idx %arg10[%get3A_291, %broadcast_in_dim3A_306] : memref<1000x1xf32, #tpu.memory_space<vmem>>[vector<16xi32>, vector<16xi32>], vector<16xf32>,
    %sub3A_308 = arith.subf %gather3A_307, %gather3A_304 : vector<16xf32>
    %add3A_309 = arith.addf %add3A_263, %sub3A_308 : vector<16xf32>
    %get3A_310 = arith.constant 144 : index
    %get3A_311 = tpu.vector_load %arg8[%get3A_310] {strides = array<i32>} : memref<256xi32, #tpu.memory_space<vmem>>, vector<16xi32>,
    %get3A_312 = arith.constant 144 : index
    %get3A_313 = tpu.vector_load %arg9[%get3A_312] {strides = array<i32>} : memref<256xi32, #tpu.memory_space<vmem>>, vector<16xi32>,
    %iota3A_314 = tpu.iota {dimensions = array<i32: 0>} : vector<16xi32>
    %add3A_315 = arith.constant 16 : i32
    %add3A_316 = vector.broadcast %add3A_315 : i32 to vector<16xi32>
    %add3A_317 = arith.addi %iota3A_314, %add3A_316 : vector<16xi32>
    %shift_right_arithmetic3A_318 = arith.constant 7 : i32
    %shift_right_arithmetic3A_319 = vector.broadcast %shift_right_arithmetic3A_318 : i32 to vector<16xi32>
    %shift_right_arithmetic3A_320 = arith.shrsi %get3A_313, %shift_right_arithmetic3A_319 : vector<16xi32>
    %and3A_321 = arith.constant 127 : i32
    %and3A_322 = vector.broadcast %and3A_321 : i32 to vector<16xi32>
    %and3A_323 = arith.andi %get3A_313, %and3A_322 : vector<16xi32>
    %gather3A_324 = tpu.vector_load_idx %arg11[%add3A_317, %shift_right_arithmetic3A_320, %and3A_323] : memref<32x8x128xf32, #tpu.memory_space<vmem>>[vector<16xi32>, vector<16xi32>, vector<16xi32>], vector<16xf32>,
    %broadcast_in_dim3A_325 = arith.constant 0 : i32
    %broadcast_in_dim3A_326 = vector.broadcast %broadcast_in_dim3A_325 : i32 to vector<16xi32>
    %gather3A_327 = tpu.vector_load_idx %arg10[%get3A_311, %broadcast_in_dim3A_326] : memref<1000x1xf32, #tpu.memory_space<vmem>>[vector<16xi32>, vector<16xi32>], vector<16xf32>,
    %sub3A_328 = arith.subf %gather3A_327, %gather3A_324 : vector<16xf32>
    %add3A_329 = arith.addf %add3A_309, %sub3A_328 : vector<16xf32>
    %dma_wait3A_330 = arith.constant 0 : i32
    %dma_wait3A_331 = arith.constant 0 : i32
    %dma_wait3A_332 = tpu.memref_slice %arg6[%add3A_283, %dma_wait3A_330, %dma_wait3A_331] : memref<8192x8x128xf32, #tpu.memory_space<hbm>> -> memref<32x8x128xf32, #tpu.memory_space<hbm>>
    %dma_wait3A_333 = arith.constant 0 : i32
    %dma_wait3A_334 = arith.constant 0 : i32
    %dma_wait3A_335 = tpu.memref_slice %arg6[%add3A_283, %dma_wait3A_333, %dma_wait3A_334] : memref<8192x8x128xf32, #tpu.memory_space<hbm>> -> memref<32x8x128xf32, #tpu.memory_space<hbm>>
    tpu.wait_dma2 semaphore(%arg16 : memref<!tpu.dma_semaphore, #tpu.memory_space<semaphore_mem>>) src(%arg11 : memref<32x8x128xf32, #tpu.memory_space<vmem>>) dst(%dma_wait3A_335 : memref<32x8x128xf32, #tpu.memory_space<hbm>>)
    %dma_start3A_336 = arith.constant 192 : i32
    %dma_start3A_337 = tpu.memref_slice %arg8[%dma_start3A_336] : memref<256xi32, #tpu.memory_space<vmem>> -> memref<32xi32, #tpu.memory_space<vmem>>
    %dma_start3A_338 = arith.constant 0 : i32
    %dma_start3A_339 = arith.constant 0 : i32
    %dma_start3A_340 = arith.constant 0 : i32
    %dma_start3A_341 = tpu.memref_slice %arg2[%dma_start3A_338, %dma_start3A_339, %dma_start3A_340] : memref<1000x8x128xf32, #tpu.memory_space<hbm>> -> memref<1000x8x128xf32, #tpu.memory_space<hbm>>
    tpu.enqueue_indirect_dma source(%dma_start3A_341 : memref<1000x8x128xf32, #tpu.memory_space<hbm>>) target(%arg11 : memref<32x8x128xf32, #tpu.memory_space<vmem>>) offsets(%dma_start3A_337 : memref<32xi32, #tpu.memory_space<vmem>>) semaphore(%arg14 : memref<!tpu.dma_semaphore, #tpu.memory_space<semaphore_mem>>)
    %dma_wait3A_342 = arith.constant 160 : i32
    %dma_wait3A_343 = tpu.memref_slice %arg8[%dma_wait3A_342] : memref<256xi32, #tpu.memory_space<vmem>> -> memref<32xi32, #tpu.memory_space<vmem>>
    %dma_wait3A_344 = arith.constant 0 : i32
    %dma_wait3A_345 = arith.constant 0 : i32
    %dma_wait3A_346 = arith.constant 0 : i32
    %dma_wait3A_347 = tpu.memref_slice %arg2[%dma_wait3A_344, %dma_wait3A_345, %dma_wait3A_346] : memref<1000x8x128xf32, #tpu.memory_space<hbm>> -> memref<1000x8x128xf32, #tpu.memory_space<hbm>>
    tpu.wait_indirect_dma semaphore(%arg15 : memref<!tpu.dma_semaphore, #tpu.memory_space<semaphore_mem>>) src(%dma_wait3A_347 : memref<1000x8x128xf32, #tpu.memory_space<hbm>>) dst(%arg12 : memref<32x8x128xf32, #tpu.memory_space<vmem>>)
    %add3A_348 = arith.constant 160 : i32
    %add3A_349 = arith.addi %mul3A_2, %add3A_348 : i32
    %dma_start3A_350 = arith.constant 0 : i32
    %dma_start3A_351 = arith.constant 0 : i32
    %dma_start3A_352 = tpu.memref_slice %arg6[%add3A_349, %dma_start3A_350, %dma_start3A_351] : memref<8192x8x128xf32, #tpu.memory_space<hbm>> -> memref<32x8x128xf32, #tpu.memory_space<hbm>>
    %dma_start3A_353 = arith.constant 0 : i32
    %dma_start3A_354 = arith.constant 0 : i32
    %dma_start3A_355 = tpu.memref_slice %arg6[%add3A_349, %dma_start3A_353, %dma_start3A_354] : memref<8192x8x128xf32, #tpu.memory_space<hbm>> -> memref<32x8x128xf32, #tpu.memory_space<hbm>>
    tpu.enqueue_dma source(%arg12 : memref<32x8x128xf32, #tpu.memory_space<vmem>>) target(%dma_start3A_355 : memref<32x8x128xf32, #tpu.memory_space<hbm>>) target_semaphore(%arg17 : memref<!tpu.dma_semaphore, #tpu.memory_space<semaphore_mem>>)
    %get3A_356 = arith.constant 160 : index
    %get3A_357 = tpu.vector_load %arg8[%get3A_356] {strides = array<i32>} : memref<256xi32, #tpu.memory_space<vmem>>, vector<16xi32>,
    %get3A_358 = arith.constant 160 : index
    %get3A_359 = tpu.vector_load %arg9[%get3A_358] {strides = array<i32>} : memref<256xi32, #tpu.memory_space<vmem>>, vector<16xi32>,
    %iota3A_360 = tpu.iota {dimensions = array<i32: 0>} : vector<16xi32>
    %add3A_361 = arith.constant 0 : i32
    %add3A_362 = vector.broadcast %add3A_361 : i32 to vector<16xi32>
    %add3A_363 = arith.addi %iota3A_360, %add3A_362 : vector<16xi32>
    %shift_right_arithmetic3A_364 = arith.constant 7 : i32
    %shift_right_arithmetic3A_365 = vector.broadcast %shift_right_arithmetic3A_364 : i32 to vector<16xi32>
    %shift_right_arithmetic3A_366 = arith.shrsi %get3A_359, %shift_right_arithmetic3A_365 : vector<16xi32>
    %and3A_367 = arith.constant 127 : i32
    %and3A_368 = vector.broadcast %and3A_367 : i32 to vector<16xi32>
    %and3A_369 = arith.andi %get3A_359, %and3A_368 : vector<16xi32>
    %gather3A_370 = tpu.vector_load_idx %arg12[%add3A_363, %shift_right_arithmetic3A_366, %and3A_369] : memref<32x8x128xf32, #tpu.memory_space<vmem>>[vector<16xi32>, vector<16xi32>, vector<16xi32>], vector<16xf32>,
    %broadcast_in_dim3A_371 = arith.constant 0 : i32
    %broadcast_in_dim3A_372 = vector.broadcast %broadcast_in_dim3A_371 : i32 to vector<16xi32>
    %gather3A_373 = tpu.vector_load_idx %arg10[%get3A_357, %broadcast_in_dim3A_372] : memref<1000x1xf32, #tpu.memory_space<vmem>>[vector<16xi32>, vector<16xi32>], vector<16xf32>,
    %sub3A_374 = arith.subf %gather3A_373, %gather3A_370 : vector<16xf32>
    %add3A_375 = arith.addf %add3A_329, %sub3A_374 : vector<16xf32>
    %get3A_376 = arith.constant 176 : index
    %get3A_377 = tpu.vector_load %arg8[%get3A_376] {strides = array<i32>} : memref<256xi32, #tpu.memory_space<vmem>>, vector<16xi32>,
    %get3A_378 = arith.constant 176 : index
    %get3A_379 = tpu.vector_load %arg9[%get3A_378] {strides = array<i32>} : memref<256xi32, #tpu.memory_space<vmem>>, vector<16xi32>,
    %iota3A_380 = tpu.iota {dimensions = array<i32: 0>} : vector<16xi32>
    %add3A_381 = arith.constant 16 : i32
    %add3A_382 = vector.broadcast %add3A_381 : i32 to vector<16xi32>
    %add3A_383 = arith.addi %iota3A_380, %add3A_382 : vector<16xi32>
    %shift_right_arithmetic3A_384 = arith.constant 7 : i32
    %shift_right_arithmetic3A_385 = vector.broadcast %shift_right_arithmetic3A_384 : i32 to vector<16xi32>
    %shift_right_arithmetic3A_386 = arith.shrsi %get3A_379, %shift_right_arithmetic3A_385 : vector<16xi32>
    %and3A_387 = arith.constant 127 : i32
    %and3A_388 = vector.broadcast %and3A_387 : i32 to vector<16xi32>
    %and3A_389 = arith.andi %get3A_379, %and3A_388 : vector<16xi32>
    %gather3A_390 = tpu.vector_load_idx %arg12[%add3A_383, %shift_right_arithmetic3A_386, %and3A_389] : memref<32x8x128xf32, #tpu.memory_space<vmem>>[vector<16xi32>, vector<16xi32>, vector<16xi32>], vector<16xf32>,
    %broadcast_in_dim3A_391 = arith.constant 0 : i32
    %broadcast_in_dim3A_392 = vector.broadcast %broadcast_in_dim3A_391 : i32 to vector<16xi32>
    %gather3A_393 = tpu.vector_load_idx %arg10[%get3A_377, %broadcast_in_dim3A_392] : memref<1000x1xf32, #tpu.memory_space<vmem>>[vector<16xi32>, vector<16xi32>], vector<16xf32>,
    %sub3A_394 = arith.subf %gather3A_393, %gather3A_390 : vector<16xf32>
    %add3A_395 = arith.addf %add3A_375, %sub3A_394 : vector<16xf32>
    %dma_wait3A_396 = arith.constant 0 : i32
    %dma_wait3A_397 = arith.constant 0 : i32
    %dma_wait3A_398 = tpu.memref_slice %arg6[%add3A_349, %dma_wait3A_396, %dma_wait3A_397] : memref<8192x8x128xf32, #tpu.memory_space<hbm>> -> memref<32x8x128xf32, #tpu.memory_space<hbm>>
    %dma_wait3A_399 = arith.constant 0 : i32
    %dma_wait3A_400 = arith.constant 0 : i32
    %dma_wait3A_401 = tpu.memref_slice %arg6[%add3A_349, %dma_wait3A_399, %dma_wait3A_400] : memref<8192x8x128xf32, #tpu.memory_space<hbm>> -> memref<32x8x128xf32, #tpu.memory_space<hbm>>
    tpu.wait_dma2 semaphore(%arg17 : memref<!tpu.dma_semaphore, #tpu.memory_space<semaphore_mem>>) src(%arg12 : memref<32x8x128xf32, #tpu.memory_space<vmem>>) dst(%dma_wait3A_401 : memref<32x8x128xf32, #tpu.memory_space<hbm>>)
    %dma_start3A_402 = arith.constant 224 : i32
    %dma_start3A_403 = tpu.memref_slice %arg8[%dma_start3A_402] : memref<256xi32, #tpu.memory_space<vmem>> -> memref<32xi32, #tpu.memory_space<vmem>>
    %dma_start3A_404 = arith.constant 0 : i32
    %dma_start3A_405 = arith.constant 0 : i32
    %dma_start3A_406 = arith.constant 0 : i32
    %dma_start3A_407 = tpu.memref_slice %arg2[%dma_start3A_404, %dma_start3A_405, %dma_start3A_406] : memref<1000x8x128xf32, #tpu.memory_space<hbm>> -> memref<1000x8x128xf32, #tpu.memory_space<hbm>>
    tpu.enqueue_indirect_dma source(%dma_start3A_407 : memref<1000x8x128xf32, #tpu.memory_space<hbm>>) target(%arg12 : memref<32x8x128xf32, #tpu.memory_space<vmem>>) offsets(%dma_start3A_403 : memref<32xi32, #tpu.memory_space<vmem>>) semaphore(%arg15 : memref<!tpu.dma_semaphore, #tpu.memory_space<semaphore_mem>>)
    %dma_wait3A_408 = arith.constant 192 : i32
    %dma_wait3A_409 = tpu.memref_slice %arg8[%dma_wait3A_408] : memref<256xi32, #tpu.memory_space<vmem>> -> memref<32xi32, #tpu.memory_space<vmem>>
    %dma_wait3A_410 = arith.constant 0 : i32
    %dma_wait3A_411 = arith.constant 0 : i32
    %dma_wait3A_412 = arith.constant 0 : i32
    %dma_wait3A_413 = tpu.memref_slice %arg2[%dma_wait3A_410, %dma_wait3A_411, %dma_wait3A_412] : memref<1000x8x128xf32, #tpu.memory_space<hbm>> -> memref<1000x8x128xf32, #tpu.memory_space<hbm>>
    tpu.wait_indirect_dma semaphore(%arg14 : memref<!tpu.dma_semaphore, #tpu.memory_space<semaphore_mem>>) src(%dma_wait3A_413 : memref<1000x8x128xf32, #tpu.memory_space<hbm>>) dst(%arg11 : memref<32x8x128xf32, #tpu.memory_space<vmem>>)
    %add3A_414 = arith.constant 192 : i32
    %add3A_415 = arith.addi %mul3A_2, %add3A_414 : i32
    %dma_start3A_416 = arith.constant 0 : i32
    %dma_start3A_417 = arith.constant 0 : i32
    %dma_start3A_418 = tpu.memref_slice %arg6[%add3A_415, %dma_start3A_416, %dma_start3A_417] : memref<8192x8x128xf32, #tpu.memory_space<hbm>> -> memref<32x8x128xf32, #tpu.memory_space<hbm>>
    %dma_start3A_419 = arith.constant 0 : i32
    %dma_start3A_420 = arith.constant 0 : i32
    %dma_start3A_421 = tpu.memref_slice %arg6[%add3A_415, %dma_start3A_419, %dma_start3A_420] : memref<8192x8x128xf32, #tpu.memory_space<hbm>> -> memref<32x8x128xf32, #tpu.memory_space<hbm>>
    tpu.enqueue_dma source(%arg11 : memref<32x8x128xf32, #tpu.memory_space<vmem>>) target(%dma_start3A_421 : memref<32x8x128xf32, #tpu.memory_space<hbm>>) target_semaphore(%arg16 : memref<!tpu.dma_semaphore, #tpu.memory_space<semaphore_mem>>)
    %get3A_422 = arith.constant 192 : index
    %get3A_423 = tpu.vector_load %arg8[%get3A_422] {strides = array<i32>} : memref<256xi32, #tpu.memory_space<vmem>>, vector<16xi32>,
    %get3A_424 = arith.constant 192 : index
    %get3A_425 = tpu.vector_load %arg9[%get3A_424] {strides = array<i32>} : memref<256xi32, #tpu.memory_space<vmem>>, vector<16xi32>,
    %iota3A_426 = tpu.iota {dimensions = array<i32: 0>} : vector<16xi32>
    %add3A_427 = arith.constant 0 : i32
    %add3A_428 = vector.broadcast %add3A_427 : i32 to vector<16xi32>
    %add3A_429 = arith.addi %iota3A_426, %add3A_428 : vector<16xi32>
    %shift_right_arithmetic3A_430 = arith.constant 7 : i32
    %shift_right_arithmetic3A_431 = vector.broadcast %shift_right_arithmetic3A_430 : i32 to vector<16xi32>
    %shift_right_arithmetic3A_432 = arith.shrsi %get3A_425, %shift_right_arithmetic3A_431 : vector<16xi32>
    %and3A_433 = arith.constant 127 : i32
    %and3A_434 = vector.broadcast %and3A_433 : i32 to vector<16xi32>
    %and3A_435 = arith.andi %get3A_425, %and3A_434 : vector<16xi32>
    %gather3A_436 = tpu.vector_load_idx %arg11[%add3A_429, %shift_right_arithmetic3A_432, %and3A_435] : memref<32x8x128xf32, #tpu.memory_space<vmem>>[vector<16xi32>, vector<16xi32>, vector<16xi32>], vector<16xf32>,
    %broadcast_in_dim3A_437 = arith.constant 0 : i32
    %broadcast_in_dim3A_438 = vector.broadcast %broadcast_in_dim3A_437 : i32 to vector<16xi32>
    %gather3A_439 = tpu.vector_load_idx %arg10[%get3A_423, %broadcast_in_dim3A_438] : memref<1000x1xf32, #tpu.memory_space<vmem>>[vector<16xi32>, vector<16xi32>], vector<16xf32>,
    %sub3A_440 = arith.subf %gather3A_439, %gather3A_436 : vector<16xf32>
    %add3A_441 = arith.addf %add3A_395, %sub3A_440 : vector<16xf32>
    %get3A_442 = arith.constant 208 : index
    %get3A_443 = tpu.vector_load %arg8[%get3A_442] {strides = array<i32>} : memref<256xi32, #tpu.memory_space<vmem>>, vector<16xi32>,
    %get3A_444 = arith.constant 208 : index
    %get3A_445 = tpu.vector_load %arg9[%get3A_444] {strides = array<i32>} : memref<256xi32, #tpu.memory_space<vmem>>, vector<16xi32>,
    %iota3A_446 = tpu.iota {dimensions = array<i32: 0>} : vector<16xi32>
    %add3A_447 = arith.constant 16 : i32
    %add3A_448 = vector.broadcast %add3A_447 : i32 to vector<16xi32>
    %add3A_449 = arith.addi %iota3A_446, %add3A_448 : vector<16xi32>
    %shift_right_arithmetic3A_450 = arith.constant 7 : i32
    %shift_right_arithmetic3A_451 = vector.broadcast %shift_right_arithmetic3A_450 : i32 to vector<16xi32>
    %shift_right_arithmetic3A_452 = arith.shrsi %get3A_445, %shift_right_arithmetic3A_451 : vector<16xi32>
    %and3A_453 = arith.constant 127 : i32
    %and3A_454 = vector.broadcast %and3A_453 : i32 to vector<16xi32>
    %and3A_455 = arith.andi %get3A_445, %and3A_454 : vector<16xi32>
    %gather3A_456 = tpu.vector_load_idx %arg11[%add3A_449, %shift_right_arithmetic3A_452, %and3A_455] : memref<32x8x128xf32, #tpu.memory_space<vmem>>[vector<16xi32>, vector<16xi32>, vector<16xi32>], vector<16xf32>,
    %broadcast_in_dim3A_457 = arith.constant 0 : i32
    %broadcast_in_dim3A_458 = vector.broadcast %broadcast_in_dim3A_457 : i32 to vector<16xi32>
    %gather3A_459 = tpu.vector_load_idx %arg10[%get3A_443, %broadcast_in_dim3A_458] : memref<1000x1xf32, #tpu.memory_space<vmem>>[vector<16xi32>, vector<16xi32>], vector<16xf32>,
    %sub3A_460 = arith.subf %gather3A_459, %gather3A_456 : vector<16xf32>
    %add3A_461 = arith.addf %add3A_441, %sub3A_460 : vector<16xf32>
    %dma_wait3A_462 = arith.constant 224 : i32
    %dma_wait3A_463 = tpu.memref_slice %arg8[%dma_wait3A_462] : memref<256xi32, #tpu.memory_space<vmem>> -> memref<32xi32, #tpu.memory_space<vmem>>
    %dma_wait3A_464 = arith.constant 0 : i32
    %dma_wait3A_465 = arith.constant 0 : i32
    %dma_wait3A_466 = arith.constant 0 : i32
    %dma_wait3A_467 = tpu.memref_slice %arg2[%dma_wait3A_464, %dma_wait3A_465, %dma_wait3A_466] : memref<1000x8x128xf32, #tpu.memory_space<hbm>> -> memref<1000x8x128xf32, #tpu.memory_space<hbm>>
    tpu.wait_indirect_dma semaphore(%arg15 : memref<!tpu.dma_semaphore, #tpu.memory_space<semaphore_mem>>) src(%dma_wait3A_467 : memref<1000x8x128xf32, #tpu.memory_space<hbm>>) dst(%arg12 : memref<32x8x128xf32, #tpu.memory_space<vmem>>)
    %add3A_468 = arith.constant 224 : i32
    %add3A_469 = arith.addi %mul3A_2, %add3A_468 : i32
    %dma_start3A_470 = arith.constant 0 : i32
    %dma_start3A_471 = arith.constant 0 : i32
    %dma_start3A_472 = tpu.memref_slice %arg6[%add3A_469, %dma_start3A_470, %dma_start3A_471] : memref<8192x8x128xf32, #tpu.memory_space<hbm>> -> memref<32x8x128xf32, #tpu.memory_space<hbm>>
    %dma_start3A_473 = arith.constant 0 : i32
    %dma_start3A_474 = arith.constant 0 : i32
    %dma_start3A_475 = tpu.memref_slice %arg6[%add3A_469, %dma_start3A_473, %dma_start3A_474] : memref<8192x8x128xf32, #tpu.memory_space<hbm>> -> memref<32x8x128xf32, #tpu.memory_space<hbm>>
    tpu.enqueue_dma source(%arg12 : memref<32x8x128xf32, #tpu.memory_space<vmem>>) target(%dma_start3A_475 : memref<32x8x128xf32, #tpu.memory_space<hbm>>) target_semaphore(%arg17 : memref<!tpu.dma_semaphore, #tpu.memory_space<semaphore_mem>>)
    %get3A_476 = arith.constant 224 : index
    %get3A_477 = tpu.vector_load %arg8[%get3A_476] {strides = array<i32>} : memref<256xi32, #tpu.memory_space<vmem>>, vector<16xi32>,
    %get3A_478 = arith.constant 224 : index
    %get3A_479 = tpu.vector_load %arg9[%get3A_478] {strides = array<i32>} : memref<256xi32, #tpu.memory_space<vmem>>, vector<16xi32>,
    %iota3A_480 = tpu.iota {dimensions = array<i32: 0>} : vector<16xi32>
    %add3A_481 = arith.constant 0 : i32
    %add3A_482 = vector.broadcast %add3A_481 : i32 to vector<16xi32>
    %add3A_483 = arith.addi %iota3A_480, %add3A_482 : vector<16xi32>
    %shift_right_arithmetic3A_484 = arith.constant 7 : i32
    %shift_right_arithmetic3A_485 = vector.broadcast %shift_right_arithmetic3A_484 : i32 to vector<16xi32>
    %shift_right_arithmetic3A_486 = arith.shrsi %get3A_479, %shift_right_arithmetic3A_485 : vector<16xi32>
    %and3A_487 = arith.constant 127 : i32
    %and3A_488 = vector.broadcast %and3A_487 : i32 to vector<16xi32>
    %and3A_489 = arith.andi %get3A_479, %and3A_488 : vector<16xi32>
    %gather3A_490 = tpu.vector_load_idx %arg12[%add3A_483, %shift_right_arithmetic3A_486, %and3A_489] : memref<32x8x128xf32, #tpu.memory_space<vmem>>[vector<16xi32>, vector<16xi32>, vector<16xi32>], vector<16xf32>,
    %broadcast_in_dim3A_491 = arith.constant 0 : i32
    %broadcast_in_dim3A_492 = vector.broadcast %broadcast_in_dim3A_491 : i32 to vector<16xi32>
    %gather3A_493 = tpu.vector_load_idx %arg10[%get3A_477, %broadcast_in_dim3A_492] : memref<1000x1xf32, #tpu.memory_space<vmem>>[vector<16xi32>, vector<16xi32>], vector<16xf32>,
    %sub3A_494 = arith.subf %gather3A_493, %gather3A_490 : vector<16xf32>
    %add3A_495 = arith.addf %add3A_461, %sub3A_494 : vector<16xf32>
    %get3A_496 = arith.constant 240 : index
    %get3A_497 = tpu.vector_load %arg8[%get3A_496] {strides = array<i32>} : memref<256xi32, #tpu.memory_space<vmem>>, vector<16xi32>,
    %get3A_498 = arith.constant 240 : index
    %get3A_499 = tpu.vector_load %arg9[%get3A_498] {strides = array<i32>} : memref<256xi32, #tpu.memory_space<vmem>>, vector<16xi32>,
    %iota3A_500 = tpu.iota {dimensions = array<i32: 0>} : vector<16xi32>
    %add3A_501 = arith.constant 16 : i32
    %add3A_502 = vector.broadcast %add3A_501 : i32 to vector<16xi32>
    %add3A_503 = arith.addi %iota3A_500, %add3A_502 : vector<16xi32>
    %shift_right_arithmetic3A_504 = arith.constant 7 : i32
    %shift_right_arithmetic3A_505 = vector.broadcast %shift_right_arithmetic3A_504 : i32 to vector<16xi32>
    %shift_right_arithmetic3A_506 = arith.shrsi %get3A_499, %shift_right_arithmetic3A_505 : vector<16xi32>
    %and3A_507 = arith.constant 127 : i32
    %and3A_508 = vector.broadcast %and3A_507 : i32 to vector<16xi32>
    %and3A_509 = arith.andi %get3A_499, %and3A_508 : vector<16xi32>
    %gather3A_510 = tpu.vector_load_idx %arg12[%add3A_503, %shift_right_arithmetic3A_506, %and3A_509] : memref<32x8x128xf32, #tpu.memory_space<vmem>>[vector<16xi32>, vector<16xi32>, vector<16xi32>], vector<16xf32>,
    %broadcast_in_dim3A_511 = arith.constant 0 : i32
    %broadcast_in_dim3A_512 = vector.broadcast %broadcast_in_dim3A_511 : i32 to vector<16xi32>
    %gather3A_513 = tpu.vector_load_idx %arg10[%get3A_497, %broadcast_in_dim3A_512] : memref<1000x1xf32, #tpu.memory_space<vmem>>[vector<16xi32>, vector<16xi32>], vector<16xf32>,
    %sub3A_514 = arith.subf %gather3A_513, %gather3A_510 : vector<16xf32>
    %add3A_515 = arith.addf %add3A_495, %sub3A_514 : vector<16xf32>
    %dma_wait3A_516 = arith.constant 0 : i32
    %dma_wait3A_517 = arith.constant 0 : i32
    %dma_wait3A_518 = tpu.memref_slice %arg6[%add3A_415, %dma_wait3A_516, %dma_wait3A_517] : memref<8192x8x128xf32, #tpu.memory_space<hbm>> -> memref<32x8x128xf32, #tpu.memory_space<hbm>>
    %dma_wait3A_519 = arith.constant 0 : i32
    %dma_wait3A_520 = arith.constant 0 : i32
    %dma_wait3A_521 = tpu.memref_slice %arg6[%add3A_415, %dma_wait3A_519, %dma_wait3A_520] : memref<8192x8x128xf32, #tpu.memory_space<hbm>> -> memref<32x8x128xf32, #tpu.memory_space<hbm>>
    tpu.wait_dma2 semaphore(%arg16 : memref<!tpu.dma_semaphore, #tpu.memory_space<semaphore_mem>>) src(%arg11 : memref<32x8x128xf32, #tpu.memory_space<vmem>>) dst(%dma_wait3A_521 : memref<32x8x128xf32, #tpu.memory_space<hbm>>)
    %dma_wait3A_522 = arith.constant 0 : i32
    %dma_wait3A_523 = arith.constant 0 : i32
    %dma_wait3A_524 = tpu.memref_slice %arg6[%add3A_469, %dma_wait3A_522, %dma_wait3A_523] : memref<8192x8x128xf32, #tpu.memory_space<hbm>> -> memref<32x8x128xf32, #tpu.memory_space<hbm>>
    %dma_wait3A_525 = arith.constant 0 : i32
    %dma_wait3A_526 = arith.constant 0 : i32
    %dma_wait3A_527 = tpu.memref_slice %arg6[%add3A_469, %dma_wait3A_525, %dma_wait3A_526] : memref<8192x8x128xf32, #tpu.memory_space<hbm>> -> memref<32x8x128xf32, #tpu.memory_space<hbm>>
    tpu.wait_dma2 semaphore(%arg17 : memref<!tpu.dma_semaphore, #tpu.memory_space<semaphore_mem>>) src(%arg12 : memref<32x8x128xf32, #tpu.memory_space<vmem>>) dst(%dma_wait3A_527 : memref<32x8x128xf32, #tpu.memory_space<hbm>>)
    %swap3A = arith.constant 0 : index
    %swap3A_528 = tpu.vector_load %arg13[%swap3A] {strides = array<i32>} : memref<16xf32, #tpu.memory_space<vmem>>, vector<16xf32>,
    tpu.vector_store %arg13[%swap3A], %add3A_515 {strides = array<i32>} : memref<16xf32, #tpu.memory_space<vmem>>, vector<16xf32>,
    %mul3A_529 = arith.constant 16 : i32
    %mul3A_530 = arith.muli %add3A, %mul3A_529 : i32
    "tpu.region"() ({
      %run_scoped3A = tpu.sem_alloc : memref<!tpu.dma_semaphore, #tpu.memory_space<semaphore_mem>>
      %dma_start3A_531 = tpu.memref_slice %arg7[%mul3A_530] : memref<512xf32, #tpu.memory_space<hbm>> -> memref<16xf32, #tpu.memory_space<hbm>>
      %dma_start3A_532 = tpu.memref_slice %arg7[%mul3A_530] : memref<512xf32, #tpu.memory_space<hbm>> -> memref<16xf32, #tpu.memory_space<hbm>>
      tpu.enqueue_dma source(%arg13 : memref<16xf32, #tpu.memory_space<vmem>>) target(%dma_start3A_532 : memref<16xf32, #tpu.memory_space<hbm>>) target_semaphore(%run_scoped3A : memref<!tpu.dma_semaphore, #tpu.memory_space<semaphore_mem>>)
      %dma_wait3A_533 = tpu.memref_slice %arg7[%mul3A_530] : memref<512xf32, #tpu.memory_space<hbm>> -> memref<16xf32, #tpu.memory_space<hbm>>
      %dma_wait3A_534 = tpu.memref_slice %arg7[%mul3A_530] : memref<512xf32, #tpu.memory_space<hbm>> -> memref<16xf32, #tpu.memory_space<hbm>>
      tpu.wait_dma2 semaphore(%run_scoped3A : memref<!tpu.dma_semaphore, #tpu.memory_space<semaphore_mem>>) src(%arg13 : memref<16xf32, #tpu.memory_space<vmem>>) dst(%dma_wait3A_534 : memref<16xf32, #tpu.memory_space<hbm>>)
      tpu.yield
    }) : () -> ()
    return
  }
}

module attributes {stable_mosaic.version = 14 : i64} {
  func.func @_mtab_body(%arg0: memref<1000x128xf32, #tpu.memory_space<vmem>>, %arg1: memref<1000x128xf32, #tpu.memory_space<vmem>>, %arg2: memref<1x1000xf32, #tpu.memory_space<vmem>>, %arg3: memref<1000x8x128xf32, #tpu.memory_space<vmem>>, %arg4: memref<1000x1xf32, #tpu.memory_space<vmem>>) attributes {dimension_semantics = [], scalar_prefetch = 0 : i64, scratch_operands = 0 : i64, tpu.core_type = #tpu.core_type<tc>} {
    %get3A = arith.constant 0 : index
    %get3A_0 = arith.constant 0 : index
    %get3A_1 = vector.load %arg0[%get3A, %get3A_0] : memref<1000x128xf32, #tpu.memory_space<vmem>>, vector<1000x128xf32>
    %get3A_2 = arith.constant 0 : index
    %get3A_3 = arith.constant 0 : index
    %get3A_4 = vector.load %arg1[%get3A_2, %get3A_3] : memref<1000x128xf32, #tpu.memory_space<vmem>>, vector<1000x128xf32>
    %dot_general3A = arith.constant dense<0.000000e+00> : vector<1000x1000xf32>
    %dot_general3A_5 = tpu.matmul %get3A_1, %get3A_4, %dot_general3A {dimension_numbers = #tpu.dot_dimension_numbers<[1], [1], [0], [0], [0, 0, 1, 0], [], []>, transpose_lhs_hint = false} : vector<1000x128xf32>, vector<1000x128xf32>, vector<1000x1000xf32> -> vector<1000x1000xf32>
    %get3A_6 = arith.constant 0 : index
    %get3A_7 = arith.constant 0 : index
    %get3A_8 = vector.load %arg2[%get3A_6, %get3A_7] : memref<1x1000xf32, #tpu.memory_space<vmem>>, vector<1x1000xf32>
    %add3A = vector.broadcast %get3A_8 : vector<1x1000xf32> to vector<1000x1000xf32>
    %add3A_9 = arith.addf %dot_general3A_5, %add3A : vector<1000x1000xf32>
    %slice3A = vector.extract_strided_slice %add3A_9 {offsets = [0, 0], sizes = [1000, 128], strides = [1, 1]} : vector<1000x1000xf32> to vector<1000x128xf32>
    %swap3A = arith.constant 0 : index
    %swap3A_10 = arith.constant 0 : index
    %swap3A_11 = arith.constant 0 : index
    %swap3A_12 = vector.load %arg3[%swap3A, %swap3A_10, %swap3A_11] : memref<1000x8x128xf32, #tpu.memory_space<vmem>>, vector<1000x1x128xf32>
    %swap3A_13 = vector.shape_cast %swap3A_12 : vector<1000x1x128xf32> to vector<1000x128xf32>
    %swap3A_14 = vector.shape_cast %slice3A : vector<1000x128xf32> to vector<1000x1x128xf32>
    tpu.vector_store %arg3[%swap3A, %swap3A_10, %swap3A_11], %swap3A_14 {strides = array<i32>} : memref<1000x8x128xf32, #tpu.memory_space<vmem>>, vector<1000x1x128xf32>,
    %slice3A_15 = vector.extract_strided_slice %add3A_9 {offsets = [0, 128], sizes = [1000, 128], strides = [1, 1]} : vector<1000x1000xf32> to vector<1000x128xf32>
    %swap3A_16 = arith.constant 0 : index
    %swap3A_17 = arith.constant 1 : index
    %swap3A_18 = arith.constant 0 : index
    %swap3A_19 = vector.load %arg3[%swap3A_16, %swap3A_17, %swap3A_18] : memref<1000x8x128xf32, #tpu.memory_space<vmem>>, vector<1000x1x128xf32>
    %swap3A_20 = vector.shape_cast %swap3A_19 : vector<1000x1x128xf32> to vector<1000x128xf32>
    %swap3A_21 = vector.shape_cast %slice3A_15 : vector<1000x128xf32> to vector<1000x1x128xf32>
    tpu.vector_store %arg3[%swap3A_16, %swap3A_17, %swap3A_18], %swap3A_21 {strides = array<i32>} : memref<1000x8x128xf32, #tpu.memory_space<vmem>>, vector<1000x1x128xf32>,
    %slice3A_22 = vector.extract_strided_slice %add3A_9 {offsets = [0, 256], sizes = [1000, 128], strides = [1, 1]} : vector<1000x1000xf32> to vector<1000x128xf32>
    %swap3A_23 = arith.constant 0 : index
    %swap3A_24 = arith.constant 2 : index
    %swap3A_25 = arith.constant 0 : index
    %swap3A_26 = vector.load %arg3[%swap3A_23, %swap3A_24, %swap3A_25] : memref<1000x8x128xf32, #tpu.memory_space<vmem>>, vector<1000x1x128xf32>
    %swap3A_27 = vector.shape_cast %swap3A_26 : vector<1000x1x128xf32> to vector<1000x128xf32>
    %swap3A_28 = vector.shape_cast %slice3A_22 : vector<1000x128xf32> to vector<1000x1x128xf32>
    tpu.vector_store %arg3[%swap3A_23, %swap3A_24, %swap3A_25], %swap3A_28 {strides = array<i32>} : memref<1000x8x128xf32, #tpu.memory_space<vmem>>, vector<1000x1x128xf32>,
    %slice3A_29 = vector.extract_strided_slice %add3A_9 {offsets = [0, 384], sizes = [1000, 128], strides = [1, 1]} : vector<1000x1000xf32> to vector<1000x128xf32>
    %swap3A_30 = arith.constant 0 : index
    %swap3A_31 = arith.constant 3 : index
    %swap3A_32 = arith.constant 0 : index
    %swap3A_33 = vector.load %arg3[%swap3A_30, %swap3A_31, %swap3A_32] : memref<1000x8x128xf32, #tpu.memory_space<vmem>>, vector<1000x1x128xf32>
    %swap3A_34 = vector.shape_cast %swap3A_33 : vector<1000x1x128xf32> to vector<1000x128xf32>
    %swap3A_35 = vector.shape_cast %slice3A_29 : vector<1000x128xf32> to vector<1000x1x128xf32>
    tpu.vector_store %arg3[%swap3A_30, %swap3A_31, %swap3A_32], %swap3A_35 {strides = array<i32>} : memref<1000x8x128xf32, #tpu.memory_space<vmem>>, vector<1000x1x128xf32>,
    %slice3A_36 = vector.extract_strided_slice %add3A_9 {offsets = [0, 512], sizes = [1000, 128], strides = [1, 1]} : vector<1000x1000xf32> to vector<1000x128xf32>
    %swap3A_37 = arith.constant 0 : index
    %swap3A_38 = arith.constant 4 : index
    %swap3A_39 = arith.constant 0 : index
    %swap3A_40 = vector.load %arg3[%swap3A_37, %swap3A_38, %swap3A_39] : memref<1000x8x128xf32, #tpu.memory_space<vmem>>, vector<1000x1x128xf32>
    %swap3A_41 = vector.shape_cast %swap3A_40 : vector<1000x1x128xf32> to vector<1000x128xf32>
    %swap3A_42 = vector.shape_cast %slice3A_36 : vector<1000x128xf32> to vector<1000x1x128xf32>
    tpu.vector_store %arg3[%swap3A_37, %swap3A_38, %swap3A_39], %swap3A_42 {strides = array<i32>} : memref<1000x8x128xf32, #tpu.memory_space<vmem>>, vector<1000x1x128xf32>,
    %slice3A_43 = vector.extract_strided_slice %add3A_9 {offsets = [0, 640], sizes = [1000, 128], strides = [1, 1]} : vector<1000x1000xf32> to vector<1000x128xf32>
    %swap3A_44 = arith.constant 0 : index
    %swap3A_45 = arith.constant 5 : index
    %swap3A_46 = arith.constant 0 : index
    %swap3A_47 = vector.load %arg3[%swap3A_44, %swap3A_45, %swap3A_46] : memref<1000x8x128xf32, #tpu.memory_space<vmem>>, vector<1000x1x128xf32>
    %swap3A_48 = vector.shape_cast %swap3A_47 : vector<1000x1x128xf32> to vector<1000x128xf32>
    %swap3A_49 = vector.shape_cast %slice3A_43 : vector<1000x128xf32> to vector<1000x1x128xf32>
    tpu.vector_store %arg3[%swap3A_44, %swap3A_45, %swap3A_46], %swap3A_49 {strides = array<i32>} : memref<1000x8x128xf32, #tpu.memory_space<vmem>>, vector<1000x1x128xf32>,
    %slice3A_50 = vector.extract_strided_slice %add3A_9 {offsets = [0, 768], sizes = [1000, 128], strides = [1, 1]} : vector<1000x1000xf32> to vector<1000x128xf32>
    %swap3A_51 = arith.constant 0 : index
    %swap3A_52 = arith.constant 6 : index
    %swap3A_53 = arith.constant 0 : index
    %swap3A_54 = vector.load %arg3[%swap3A_51, %swap3A_52, %swap3A_53] : memref<1000x8x128xf32, #tpu.memory_space<vmem>>, vector<1000x1x128xf32>
    %swap3A_55 = vector.shape_cast %swap3A_54 : vector<1000x1x128xf32> to vector<1000x128xf32>
    %swap3A_56 = vector.shape_cast %slice3A_50 : vector<1000x128xf32> to vector<1000x1x128xf32>
    tpu.vector_store %arg3[%swap3A_51, %swap3A_52, %swap3A_53], %swap3A_56 {strides = array<i32>} : memref<1000x8x128xf32, #tpu.memory_space<vmem>>, vector<1000x1x128xf32>,
    %slice3A_57 = vector.extract_strided_slice %add3A_9 {offsets = [0, 896], sizes = [1000, 104], strides = [1, 1]} : vector<1000x1000xf32> to vector<1000x104xf32>
    %swap3A_58 = arith.constant 0 : index
    %swap3A_59 = arith.constant 7 : index
    %swap3A_60 = arith.constant 0 : index
    %swap3A_61 = vector.load %arg3[%swap3A_58, %swap3A_59, %swap3A_60] : memref<1000x8x128xf32, #tpu.memory_space<vmem>>, vector<1000x1x104xf32>
    %swap3A_62 = vector.shape_cast %swap3A_61 : vector<1000x1x104xf32> to vector<1000x104xf32>
    %swap3A_63 = vector.shape_cast %slice3A_57 : vector<1000x104xf32> to vector<1000x1x104xf32>
    tpu.vector_store %arg3[%swap3A_58, %swap3A_59, %swap3A_60], %swap3A_63 {strides = array<i32>} : memref<1000x8x128xf32, #tpu.memory_space<vmem>>, vector<1000x1x104xf32>,
    %reduce_max3A = arith.constant dense<0xFF800000> : vector<1000xf32>
    %reduce_max3A_64 = vector.multi_reduction <maximumf>, %add3A_9, %reduce_max3A [1] : vector<1000x1000xf32> to vector<1000xf32>
    %broadcast_in_dim3A = vector.shape_cast %reduce_max3A_64 : vector<1000xf32> to vector<1000x1xf32>
    %sub3A = vector.broadcast %broadcast_in_dim3A : vector<1000x1xf32> to vector<1000x1000xf32>
    %sub3A_65 = arith.subf %add3A_9, %sub3A : vector<1000x1000xf32>
    %exp3A = math.exp %sub3A_65 : vector<1000x1000xf32>
    %reduce_sum3A = arith.constant dense<0.000000e+00> : vector<1000xf32>
    %reduce_sum3A_66 = vector.multi_reduction <add>, %exp3A, %reduce_sum3A [1] : vector<1000x1000xf32> to vector<1000xf32>
    %broadcast_in_dim3A_67 = vector.shape_cast %reduce_sum3A_66 : vector<1000xf32> to vector<1000x1xf32>
    %log3A = math.log %broadcast_in_dim3A_67 : vector<1000x1xf32>
    %add3A_68 = arith.addf %broadcast_in_dim3A, %log3A : vector<1000x1xf32>
    %swap3A_69 = arith.constant 0 : index
    %swap3A_70 = arith.constant 0 : index
    %swap3A_71 = vector.load %arg4[%swap3A_69, %swap3A_70] : memref<1000x1xf32, #tpu.memory_space<vmem>>, vector<1000x1xf32>
    tpu.vector_store %arg4[%swap3A_69, %swap3A_70], %add3A_68 {strides = array<i32>} : memref<1000x1xf32, #tpu.memory_space<vmem>>, vector<1000x1xf32>,
    return
  }
}

module attributes {stable_mosaic.version = 14 : i64} {
  func.func @_fin_body(%arg0: i32, %arg1: i32, %arg2: memref<512x8x128xf32, #tpu.memory_space<vmem>>, %arg3: memref<1x1000x512xf32, #tpu.memory_space<vmem>>) attributes {dimension_semantics = [#tpu.dimension_semantics<arbitrary>, #tpu.dimension_semantics<arbitrary>], iteration_bounds = array<i64: 4, 4>, scalar_prefetch = 0 : i64, scratch_operands = 0 : i64, tpu.core_type = #tpu.core_type<tc>, window_params = [{transform_indices = @transform_0, window_bounds = array<i64: 512, 8, 128>}, {transform_indices = @transform_1, window_bounds = array<i64: 1, 1000, 512>}]} {
    %get3A = arith.constant 0 : index
    %get3A_0 = arith.constant 0 : index
    %get3A_1 = arith.constant 0 : index
    %get3A_2 = vector.load %arg2[%get3A, %get3A_0, %get3A_1] : memref<512x8x128xf32, #tpu.memory_space<vmem>>, vector<512x1x128xf32>
    %get3A_3 = vector.shape_cast %get3A_2 : vector<512x1x128xf32> to vector<512x128xf32>
    %transpose3A = tpu.transpose %get3A_3, [1, 0] : vector<512x128xf32> -> vector<128x512xf32>
    %swap3A = arith.constant 0 : index
    %swap3A_4 = arith.constant 0 : index
    %swap3A_5 = arith.constant 0 : index
    %swap3A_6 = vector.load %arg3[%swap3A, %swap3A_4, %swap3A_5] : memref<1x1000x512xf32, #tpu.memory_space<vmem>>, vector<1x128x512xf32>
    %swap3A_7 = vector.shape_cast %swap3A_6 : vector<1x128x512xf32> to vector<128x512xf32>
    %swap3A_8 = vector.shape_cast %transpose3A : vector<128x512xf32> to vector<1x128x512xf32>
    tpu.vector_store %arg3[%swap3A, %swap3A_4, %swap3A_5], %swap3A_8 {strides = array<i32>} : memref<1x1000x512xf32, #tpu.memory_space<vmem>>, vector<1x128x512xf32>,
    %get3A_9 = arith.constant 0 : index
    %get3A_10 = arith.constant 1 : index
    %get3A_11 = arith.constant 0 : index
    %get3A_12 = vector.load %arg2[%get3A_9, %get3A_10, %get3A_11] : memref<512x8x128xf32, #tpu.memory_space<vmem>>, vector<512x1x128xf32>
    %get3A_13 = vector.shape_cast %get3A_12 : vector<512x1x128xf32> to vector<512x128xf32>
    %transpose3A_14 = tpu.transpose %get3A_13, [1, 0] : vector<512x128xf32> -> vector<128x512xf32>
    %swap3A_15 = arith.constant 0 : index
    %swap3A_16 = arith.constant 128 : index
    %swap3A_17 = arith.constant 0 : index
    %swap3A_18 = vector.load %arg3[%swap3A_15, %swap3A_16, %swap3A_17] : memref<1x1000x512xf32, #tpu.memory_space<vmem>>, vector<1x128x512xf32>
    %swap3A_19 = vector.shape_cast %swap3A_18 : vector<1x128x512xf32> to vector<128x512xf32>
    %swap3A_20 = vector.shape_cast %transpose3A_14 : vector<128x512xf32> to vector<1x128x512xf32>
    tpu.vector_store %arg3[%swap3A_15, %swap3A_16, %swap3A_17], %swap3A_20 {strides = array<i32>} : memref<1x1000x512xf32, #tpu.memory_space<vmem>>, vector<1x128x512xf32>,
    %get3A_21 = arith.constant 0 : index
    %get3A_22 = arith.constant 2 : index
    %get3A_23 = arith.constant 0 : index
    %get3A_24 = vector.load %arg2[%get3A_21, %get3A_22, %get3A_23] : memref<512x8x128xf32, #tpu.memory_space<vmem>>, vector<512x1x128xf32>
    %get3A_25 = vector.shape_cast %get3A_24 : vector<512x1x128xf32> to vector<512x128xf32>
    %transpose3A_26 = tpu.transpose %get3A_25, [1, 0] : vector<512x128xf32> -> vector<128x512xf32>
    %swap3A_27 = arith.constant 0 : index
    %swap3A_28 = arith.constant 256 : index
    %swap3A_29 = arith.constant 0 : index
    %swap3A_30 = vector.load %arg3[%swap3A_27, %swap3A_28, %swap3A_29] : memref<1x1000x512xf32, #tpu.memory_space<vmem>>, vector<1x128x512xf32>
    %swap3A_31 = vector.shape_cast %swap3A_30 : vector<1x128x512xf32> to vector<128x512xf32>
    %swap3A_32 = vector.shape_cast %transpose3A_26 : vector<128x512xf32> to vector<1x128x512xf32>
    tpu.vector_store %arg3[%swap3A_27, %swap3A_28, %swap3A_29], %swap3A_32 {strides = array<i32>} : memref<1x1000x512xf32, #tpu.memory_space<vmem>>, vector<1x128x512xf32>,
    %get3A_33 = arith.constant 0 : index
    %get3A_34 = arith.constant 3 : index
    %get3A_35 = arith.constant 0 : index
    %get3A_36 = vector.load %arg2[%get3A_33, %get3A_34, %get3A_35] : memref<512x8x128xf32, #tpu.memory_space<vmem>>, vector<512x1x128xf32>
    %get3A_37 = vector.shape_cast %get3A_36 : vector<512x1x128xf32> to vector<512x128xf32>
    %transpose3A_38 = tpu.transpose %get3A_37, [1, 0] : vector<512x128xf32> -> vector<128x512xf32>
    %swap3A_39 = arith.constant 0 : index
    %swap3A_40 = arith.constant 384 : index
    %swap3A_41 = arith.constant 0 : index
    %swap3A_42 = vector.load %arg3[%swap3A_39, %swap3A_40, %swap3A_41] : memref<1x1000x512xf32, #tpu.memory_space<vmem>>, vector<1x128x512xf32>
    %swap3A_43 = vector.shape_cast %swap3A_42 : vector<1x128x512xf32> to vector<128x512xf32>
    %swap3A_44 = vector.shape_cast %transpose3A_38 : vector<128x512xf32> to vector<1x128x512xf32>
    tpu.vector_store %arg3[%swap3A_39, %swap3A_40, %swap3A_41], %swap3A_44 {strides = array<i32>} : memref<1x1000x512xf32, #tpu.memory_space<vmem>>, vector<1x128x512xf32>,
    %get3A_45 = arith.constant 0 : index
    %get3A_46 = arith.constant 4 : index
    %get3A_47 = arith.constant 0 : index
    %get3A_48 = vector.load %arg2[%get3A_45, %get3A_46, %get3A_47] : memref<512x8x128xf32, #tpu.memory_space<vmem>>, vector<512x1x128xf32>
    %get3A_49 = vector.shape_cast %get3A_48 : vector<512x1x128xf32> to vector<512x128xf32>
    %transpose3A_50 = tpu.transpose %get3A_49, [1, 0] : vector<512x128xf32> -> vector<128x512xf32>
    %swap3A_51 = arith.constant 0 : index
    %swap3A_52 = arith.constant 512 : index
    %swap3A_53 = arith.constant 0 : index
    %swap3A_54 = vector.load %arg3[%swap3A_51, %swap3A_52, %swap3A_53] : memref<1x1000x512xf32, #tpu.memory_space<vmem>>, vector<1x128x512xf32>
    %swap3A_55 = vector.shape_cast %swap3A_54 : vector<1x128x512xf32> to vector<128x512xf32>
    %swap3A_56 = vector.shape_cast %transpose3A_50 : vector<128x512xf32> to vector<1x128x512xf32>
    tpu.vector_store %arg3[%swap3A_51, %swap3A_52, %swap3A_53], %swap3A_56 {strides = array<i32>} : memref<1x1000x512xf32, #tpu.memory_space<vmem>>, vector<1x128x512xf32>,
    %get3A_57 = arith.constant 0 : index
    %get3A_58 = arith.constant 5 : index
    %get3A_59 = arith.constant 0 : index
    %get3A_60 = vector.load %arg2[%get3A_57, %get3A_58, %get3A_59] : memref<512x8x128xf32, #tpu.memory_space<vmem>>, vector<512x1x128xf32>
    %get3A_61 = vector.shape_cast %get3A_60 : vector<512x1x128xf32> to vector<512x128xf32>
    %transpose3A_62 = tpu.transpose %get3A_61, [1, 0] : vector<512x128xf32> -> vector<128x512xf32>
    %swap3A_63 = arith.constant 0 : index
    %swap3A_64 = arith.constant 640 : index
    %swap3A_65 = arith.constant 0 : index
    %swap3A_66 = vector.load %arg3[%swap3A_63, %swap3A_64, %swap3A_65] : memref<1x1000x512xf32, #tpu.memory_space<vmem>>, vector<1x128x512xf32>
    %swap3A_67 = vector.shape_cast %swap3A_66 : vector<1x128x512xf32> to vector<128x512xf32>
    %swap3A_68 = vector.shape_cast %transpose3A_62 : vector<128x512xf32> to vector<1x128x512xf32>
    tpu.vector_store %arg3[%swap3A_63, %swap3A_64, %swap3A_65], %swap3A_68 {strides = array<i32>} : memref<1x1000x512xf32, #tpu.memory_space<vmem>>, vector<1x128x512xf32>,
    %get3A_69 = arith.constant 0 : index
    %get3A_70 = arith.constant 6 : index
    %get3A_71 = arith.constant 0 : index
    %get3A_72 = vector.load %arg2[%get3A_69, %get3A_70, %get3A_71] : memref<512x8x128xf32, #tpu.memory_space<vmem>>, vector<512x1x128xf32>
    %get3A_73 = vector.shape_cast %get3A_72 : vector<512x1x128xf32> to vector<512x128xf32>
    %transpose3A_74 = tpu.transpose %get3A_73, [1, 0] : vector<512x128xf32> -> vector<128x512xf32>
    %swap3A_75 = arith.constant 0 : index
    %swap3A_76 = arith.constant 768 : index
    %swap3A_77 = arith.constant 0 : index
    %swap3A_78 = vector.load %arg3[%swap3A_75, %swap3A_76, %swap3A_77] : memref<1x1000x512xf32, #tpu.memory_space<vmem>>, vector<1x128x512xf32>
    %swap3A_79 = vector.shape_cast %swap3A_78 : vector<1x128x512xf32> to vector<128x512xf32>
    %swap3A_80 = vector.shape_cast %transpose3A_74 : vector<128x512xf32> to vector<1x128x512xf32>
    tpu.vector_store %arg3[%swap3A_75, %swap3A_76, %swap3A_77], %swap3A_80 {strides = array<i32>} : memref<1x1000x512xf32, #tpu.memory_space<vmem>>, vector<1x128x512xf32>,
    %get3A_81 = arith.constant 0 : index
    %get3A_82 = arith.constant 7 : index
    %get3A_83 = arith.constant 0 : index
    %get3A_84 = vector.load %arg2[%get3A_81, %get3A_82, %get3A_83] : memref<512x8x128xf32, #tpu.memory_space<vmem>>, vector<512x1x128xf32>
    %get3A_85 = vector.shape_cast %get3A_84 : vector<512x1x128xf32> to vector<512x128xf32>
    %transpose3A_86 = tpu.transpose %get3A_85, [1, 0] : vector<512x128xf32> -> vector<128x512xf32>
    %slice3A = vector.extract_strided_slice %transpose3A_86 {offsets = [0, 0], sizes = [104, 512], strides = [1, 1]} : vector<128x512xf32> to vector<104x512xf32>
    %swap3A_87 = arith.constant 0 : index
    %swap3A_88 = arith.constant 896 : index
    %swap3A_89 = arith.constant 0 : index
    %swap3A_90 = vector.load %arg3[%swap3A_87, %swap3A_88, %swap3A_89] : memref<1x1000x512xf32, #tpu.memory_space<vmem>>, vector<1x104x512xf32>
    %swap3A_91 = vector.shape_cast %swap3A_90 : vector<1x104x512xf32> to vector<104x512xf32>
    %swap3A_92 = vector.shape_cast %slice3A : vector<104x512xf32> to vector<1x104x512xf32>
    tpu.vector_store %arg3[%swap3A_87, %swap3A_88, %swap3A_89], %swap3A_92 {strides = array<i32>} : memref<1x1000x512xf32, #tpu.memory_space<vmem>>, vector<1x104x512xf32>,
    return
  }
  func.func @transform_0(%arg0: i32, %arg1: i32) -> (i32, i32, i32) {
    %mul3A = arith.constant 4 : i32
    %mul3A_0 = arith.muli %arg0, %mul3A : i32
    %add3A = arith.addi %mul3A_0, %arg1 : i32
    %c0_i32 = arith.constant 0 : i32
    %c0_i32_1 = arith.constant 0 : i32
    %c0_i32_2 = arith.constant 0 : i32
    return %add3A, %c0_i32, %c0_i32_1 : i32, i32, i32
  }
  func.func @transform_1(%arg0: i32, %arg1: i32) -> (i32, i32, i32) {
    %c0_i32 = arith.constant 0 : i32
    %c0_i32_0 = arith.constant 0 : i32
    return %arg0, %c0_i32, %arg1 : i32, i32, i32
  }
}

module attributes {stable_mosaic.version = 14 : i64} {
  func.func @_loss_body(%arg0: memref<32x16xf32, #tpu.memory_space<vmem>>, %arg1: memref<1x1xf32, #tpu.memory_space<vmem>>) attributes {dimension_semantics = [], scalar_prefetch = 0 : i64, scratch_operands = 0 : i64, tpu.core_type = #tpu.core_type<tc>} {
    %get3A = arith.constant 0 : index
    %get3A_0 = arith.constant 0 : index
    %get3A_1 = vector.load %arg0[%get3A, %get3A_0] : memref<32x16xf32, #tpu.memory_space<vmem>>, vector<32x16xf32>
    %reduce_sum3A = vector.shape_cast %get3A_1 : vector<32x16xf32> to vector<1x32x16xf32>
    %reduce_sum3A_2 = arith.constant dense<0.000000e+00> : vector<1xf32>
    %reduce_sum3A_3 = vector.multi_reduction <add>, %reduce_sum3A, %reduce_sum3A_2 [1, 2] : vector<1x32x16xf32> to vector<1xf32>
    %reduce_sum3A_4 = vector.shape_cast %reduce_sum3A_3 : vector<1xf32> to vector<1x1x1xf32>
    %reduce_sum3A_5 = vector.extract %reduce_sum3A_4[0, 0, 0] : f32 from vector<1x1x1xf32>
    %broadcast_in_dim3A = vector.broadcast %reduce_sum3A_5 : f32 to vector<1x1xf32>
    %mul3A = arith.constant 1.22070313E-4 : f32
    %mul3A_6 = vector.broadcast %mul3A : f32 to vector<1x1xf32>
    %mul3A_7 = arith.mulf %broadcast_in_dim3A, %mul3A_6 : vector<1x1xf32>
    %swap3A = arith.constant 0 : index
    %swap3A_8 = arith.constant 0 : index
    %swap3A_9 = vector.load %arg1[%swap3A, %swap3A_8] : memref<1x1xf32, #tpu.memory_space<vmem>>, vector<1x1xf32>
    tpu.vector_store %arg1[%swap3A, %swap3A_8], %mul3A_7 {strides = array<i32>} : memref<1x1xf32, #tpu.memory_space<vmem>>, vector<1x1xf32>,
    return
  }
}

</mosaic_0001>

<sc_bundles>
// kernel: kernel.6.cloned.1.call-start
scs
__scs_entry_jumppad:
0x0: {  	(pc) =	sbr.rel $0x88, $3  }
0x1: {  	(tag) =	ssettag $0x0;
	lr =	simm.s32 $0x1  }
0x2: {  	[smem:$0x3F9C] =	sst lr;
	_ =	strace $0xD0000000  }
0x3: {  	_ = 	snop  }
0x4: {  	_ = 	snop  }
0x5: {  	_ = 	snop  }
0x6: {  	_ = 	snop  }
0x7: {  	_ = 	snop  }
__scs_overlays_trampoline_lowered:
0x8: {  	[smem:$0x3FAB] =	sst s0  }
0x9: {  	[smem:$0x3FAC] =	sst s1  }
0xa: {  	[smem:$0x3FAD] =	sst s2  }
0xb: {  	[smem:$0x3FAE] =	sst s3  }
0xc: {  	[smem:$0x3FAF] =	sst s4  }
0xd: {  	[smem:$0x3FB0] =	sst s5  }
0xe: {  	[smem:$0x3FB1] =	sst s6  }
0xf: {  	[smem:$0x3FB2] =	sst s7  }
0x10: {  	[smem:$0x3FB3] =	sst s8  }
0x11: {  	[smem:$0x3FB4] =	sst s9;
	s0 =	simm.s32 @!p0 $0x0  }
0x12: {  	s1 =	sld [smem:$0x3F9A];
	s0 =	simm.s32 @p0 $0x1  }
0x13: {  	[smem:$0x3FB5] =	sst s0;
	s0 =	simm.s32 @!p1 $0x0  }
0x14: {  	s2 =	sld [smem:$0x3F99];
	s0 =	simm.s32 @p1 $0x1  }
0x15: {  	[smem:$0x3FB6] =	sst s0;
	s0 =	simm.s32 @!p2 $0x0  }
0x16: {  	s3 =	sld [smem:$0x3FDB];
	s0 =	simm.s32 @p2 $0x1  }
0x17: {  	s4 =	simm.s32 $0x1BF5;
	[smem:$0x3FB8] =	sst s0  }
0x18: {  	s0 =	sld [smem:$0x3F9B];
	_ =	swait.ge [sflag:s4], $0x0  }
0x19: {  	s7 =	sld [smem:$0x3F9C]  }
0x1a: {  	s8 =	sadd.s32 $0xFFFFE003, lr  }
0x1b: {  	s9 =	sadd.s32 $0xFFFFFEF7, lr;
	s5 =	simm.s32 $0xFFFFFFFF;
	p2 =	slt.u32 s8, $0xFFFFF086  }
0x1c: {  	p1 =	slt.u32 s9, $0xF7A;
	s5 =	simm.s32 @!p2 $0x0  }
0x1d: {  	s5 =	simm.s32 @p1 $0x1;
	p0 =	seq.s32 s7, s2  }
0x1e: {  	s7 =	smul.u32 @!p0 $0xF7A, s2;
	p2 =	seq.s32 @!p0 s5, $0x0  }
0x1f: {  	s9 =	smul.u32 $0xF7A, s1;
	s8 =	simm.s32 @!p0 $0x1BF5;
	p2 =	por !p2, p0  }
0x20: {  	[sflag:s8] =	ssyncset.s32 @!p0 $0xFFFFF086;
	s6 =	sadd.s32 @!p0 s3, s7;
	s7 =	simm.s32 @!p0 $0x108  }
0x21: {  	s3 =	sadd.s32 s3, s9;
	s6 =	sadd.s32 @!p0 $0x88, s6;
	s7 =	simm.s32 @p2 $0x1082  }
0x22: {  	[simem:s7], [sflag:s8] =	dma.local @!p0 [hbm:s6], $0xF7A  }
0x23: {  	s9 =	sor.u32 $0xD0000000, s2;
	s6 =	simm.s32 $0x108;
	_ =	swait.ge @!p0 [sflag:s8], $0x0  }
0x24: {  	s3 =	sadd.s32 $0x88, s3;
	s6 =	simm.s32 @!p1 $0x1082;
	[sflag:s4] =	ssyncset.s32 $0xFFFFF086  }
0x25: {  	[simem:s6], [sflag:s4] =	dma.local [hbm:s3], $0xF7A  }
0x26: {  	[smem:$0x3F9C] =	sst s1;
	(tag) =	ssettag s2;
	_ =	strace s9  }
0x27: {  	s1 =	sld [smem:$0x3FAC]  }
0x28: {  	s2 =	sld [smem:$0x3FAD]  }
0x29: {  	s4 =	sld [smem:$0x3FAF]  }
0x2a: {  	p0 =	seq.s32 s5, $0x0;
	s5 =	sld [smem:$0x3FB0]  }
0x2b: {  	s6 =	sld [smem:$0x3FB1]  }
0x2c: {  	s7 =	sld [smem:$0x3FB2]  }
0x2d: {  	s3 =	simm.s32 $0x108;
	s8 =	sld [smem:$0x3FB3]  }
0x2e: {  	s3 =	simm.s32 @!p0 $0x1082;
	s9 =	sld [smem:$0x3FB4]  }
0x2f: {  	lr =	sadd.s32 s0, s3;
	s0 =	sld [smem:$0x3FAB]  }
0x30: {  	s3 =	sld [smem:$0x3FAE]  }
0x31: {  	[smem:$0x3FB7] =	sst s10  }
0x32: {  	s10 =	sld [smem:$0x3FB5];
	_ =	sdelay $0x3  }
0x33: {  	p0 =	seq.s32 s10, $0x1;
	s10 =	sld [smem:$0x3FB7];
	_ =	sdelay $0x3  }
0x34: {  	[smem:$0x3FB7] =	sst s10  }
0x35: {  	s10 =	sld [smem:$0x3FB6];
	_ =	sdelay $0x3  }
0x36: {  	p1 =	seq.s32 s10, $0x1;
	s10 =	sld [smem:$0x3FB7];
	_ =	sdelay $0x3  }
0x37: {  	[smem:$0x3FB7] =	sst s10  }
0x38: {  	s10 =	sld [smem:$0x3FB8]  }
0x39: {  	_ = 	snop;
	(pc) =	sbr.ind lr, $3  }
0x3a: {  	_ = 	snop  }
0x3b: {  	_ = 	snop  }
0x3c: {  	p2 =	seq.s32 s10, $0x1;
	s10 =	sld [smem:$0x3FB7]  }
0x3d: {  	_ =	shalt  }
0x3e: {  	_ =	shalt  }
0x3f: {  	_ =	shalt  }
0x40: {  	_ =	shalt  }
0x41: {  	_ =	shalt  }
0x42: {  	_ =	shalt  }
0x43: {  	_ =	shalt  }
0x44: {  	_ =	shalt  }
0x45: {  	_ =	shalt  }
0x46: {  	_ =	shalt  }
0x47: {  	_ =	shalt  }
0x48: {  	_ =	shalt  }
0x49: {  	_ =	shalt  }
0x4a: {  	_ =	shalt  }
0x4b: {  	_ =	shalt  }
0x4c: {  	_ =	shalt  }
0x4d: {  	_ =	shalt  }
0x4e: {  	_ =	shalt  }
0x4f: {  	_ =	shalt  }
0x50: {  	_ =	shalt  }
0x51: {  	_ =	shalt  }
0x52: {  	_ =	shalt  }
0x53: {  	_ =	shalt  }
0x54: {  	_ =	shalt  }
0x55: {  	_ =	shalt  }
0x56: {  	_ =	shalt  }
0x57: {  	_ =	shalt  }
0x58: {  	_ =	shalt  }
0x59: {  	_ =	shalt  }
0x5a: {  	_ =	shalt  }
0x5b: {  	_ =	shalt  }
0x5c: {  	_ =	shalt  }
0x5d: {  	_ =	shalt  }
0x5e: {  	_ =	shalt  }
0x5f: {  	_ =	shalt  }
0x60: {  	_ =	shalt  }
0x61: {  	_ =	shalt  }
0x62: {  	_ =	shalt  }
0x63: {  	_ =	shalt  }
0x64: {  	_ =	shalt  }
0x65: {  	_ =	shalt  }
0x66: {  	_ =	shalt  }
0x67: {  	_ =	shalt  }
0x68: {  	_ =	shalt  }
0x69: {  	_ =	shalt  }
0x6a: {  	_ =	shalt  }
0x6b: {  	_ =	shalt  }
0x6c: {  	_ =	shalt  }
0x6d: {  	_ =	shalt  }
0x6e: {  	_ =	shalt  }
0x6f: {  	_ =	shalt  }
0x70: {  	_ =	shalt  }
0x71: {  	_ =	shalt  }
0x72: {  	_ =	shalt  }
0x73: {  	_ =	shalt  }
0x74: {  	_ =	shalt  }
0x75: {  	_ =	shalt  }
0x76: {  	_ =	shalt  }
0x77: {  	_ =	shalt  }
0x78: {  	_ =	shalt  }
0x79: {  	_ =	shalt  }
0x7a: {  	_ =	shalt  }
0x7b: {  	_ =	shalt  }
0x7c: {  	_ =	shalt  }
0x7d: {  	_ =	shalt  }
0x7e: {  	_ =	shalt  }
0x7f: {  	_ =	shalt  }
0x80: {  	_ =	shalt  }
0x81: {  	_ =	shalt  }
0x82: {  	_ =	shalt  }
0x83: {  	_ =	shalt  }
0x84: {  	_ =	shalt  }
0x85: {  	_ =	shalt  }
0x86: {  	_ =	shalt  }
0x87: {  	_ =	shalt  }
.Lfunc_end0:
.L_simem_size_0:
called_computation_lowered:
.L_overlay_start_0:
0x88: {  	s2 =	sld [smem:$0x3FD9]  }
0x89: {  	s3 =	sld [smem:$0x3FFE];
	_ =	sdelay $0x1  }
0x8a: {  	s1 =	srdreg.scid  }
0x8b: {  	s0 =	sand.u32 $0x1, s1  }
0x8c: {  	s14 =	sshll.u32 s0, $0xA;
	s2 =	sadd.s32 s3, s2  }
0x8d: {  	s2 =	sadd.s32 s2, s14  }
0x8e: {  	[smem:$0x3FC3] =	sst s2  }
0x8f: {  	_ = 	snop  }
0x90: {  	s2 =	sld [smem:$0x3FD0];
	_ =	sdelay $0x2  }
0x91: {  	s15 =	simm.s32 $0xA;
	s4 =	simm.s32 $0x10  }
0x92: {  	[smem:s4], [sflag:s15] =	dma.local [hbm:s2], $0x1  }
0x93: {  	_ =	swait.eq [sflag:s15], $0x1  }
0x94: {  	[sflag:s15] =	ssyncset.done $0x0  }
0x95: {  	[sflag:s15] =	ssyncadd.s32 $0xFFFFFFFF  }
0x96: {  	s16 =	sld [smem:$0x10];
	(tm) =	ssettm $0x1  }
0x97: {  	s17 =	sld [smem:$0x3FFB];
	_ =	sdelay $0x3  }
0x98: {  	_ =	strace s17  }
0x99: {  	s3 =	sld [smem:$0x3FFC];
	_ =	sdelay $0x3  }
0x9a: {  	_ =	strace s3  }
0x9b: {  	s3 =	sld [smem:$0x3FFD];
	_ =	sdelay $0x3  }
0x9c: {  	_ =	strace s3  }
0x9d: {  	_ =	strace $0x8FFFFFFF  }
0x9e: {  	s18 =	sld [smem:$0x3FDB];
	_ =	sdelay $0x1  }
0x9f: {  	s19 =	simm.s32 $_scs_section_size  }
0xa0: {  	s5 =	simm.s32 $_size__tile_overlayer_lowered;
	s6 =	simm.s32 $_tile_overlayer_lowered  }
0xa1: {  	s22 =	simm.s32 $0x1BFF;
	s21 =	sshll.u32 s6, $0x1;
	s3 =	sadd.s32 s19, s18  }
0xa2: {  	s7 =	simm.s32 $0x0;
	s20 =	sshll.u32 s5, $0x1;
	s5 =	sadd.s32 s21, s3  }
0xa3: {  	[timem:s7], [sflag:s22] =	dma.local [hbm:s5], s20  }
0xa4: {  	_ =	swait.ge [sflag:s22], s20  }
0xa5: {  	s4 =	ssub.s32 $0x0, s20;
	[sflag:s22] =	ssyncset.done $0x0  }
0xa6: {  	[sflag:s22] =	ssyncadd.s32 s4;
	_ =	sdelay $0x1  }
0xa7: {  	s23 =	simm.s32 $0x1B8B  }
0xa8: {  	_ =	swait.ge [sflag:s23], $0x1  }
0xa9: {  	[sflag:s23] =	ssyncset.done $0x0  }
0xaa: {  	s25 =	simm.s32 $0x1B8E;
	s24 =	sld [smem:$0x3FFE];
	[sflag:s23] =	ssyncadd.s32 $0xFFFFFFFF  }
0xab: {  	s26 =	simm.s32 $execute0_lowered;
	[smem:$0x3FD2] =	sst s25  }
0xac: {  	s5 =	sshll.u32 s26, $0x1;
	_ =	strace $0x80000046;
	[dreg:$0x1] =	wrdreg $0xFFFFFFFF  }
0xad: {  	s28 =	simm.s32 $_size_execute0_lowered;
	s3 =	sadd.s32 s3, s5;
	[dreg:$0x0] =	wrdreg $0x0  }
0xae: {  	s5 =	sshll.u32 s28, $0x1;
	[dreg:$0x2] =	wrdreg s3  }
0xaf: {  	[dreg:$0x3] =	wrdreg s5  }
0xb0: {  	[dreg:$0x4] =	wrdreg $0xC0  }
0xb1: {  	_ =	task [dreg:s7], $0x5FFFF  }
0xb2: {  	[dreg:$0x1] =	wrdreg $0xFFFFFFFF  }
0xb3: {  	[dreg:$0x0] =	wrdreg $0x60  }
0xb4: {  	[dreg:$0x2] =	wrdreg s16  }
0xb5: {  	[dreg:$0x3] =	wrdreg s24  }
0xb6: {  	[dreg:$0x4] =	wrdreg $0x9  }
0xb7: {  	_ =	task.clear_ibuf [dreg:s7], $0x5FFFF;
	_ =	strace $0x90000046  }
0xb8: {  	s29 =	simm.s32 $0x9;
	_ =	strace $0x80000048  }
0xb9: {  	_ =	swait.ge [sflag:s29], $0x1  }
0xba: {  	[sflag:s29] =	ssyncadd.s32 $0xFFFFFFFF  }
0xbb: {  	_ =	strace $0x90000048  }
0xbc: {  	_ =	sfence  }
0xbd: {  	s30 =	sld [smem:$0x0];
	_ =	sdelay $0x2  }
0xbe: {  	s31 =	sshll.u32 s1, $0xD;
	s1 =	sshrl.u32 s1, $0x2  }
0xbf: {  	s3 =	sand.u32 $0x4000, s31;
	s1 =	sadd.s32 s1, s30  }
0xc0: {  	s0 =	sor.u32 s3, s0;
	s1 =	sshll.u32 s1, $0x11  }
0xc1: {  	s0 =	sor.u32 s1, s0  }
0xc2: {  	s0 =	sadd.s32 $0x8F2B, s0  }
0xc3: {  	[sflag:s0] =	ssyncadd.remote.s32 $0x1  }
0xc4: {  	_ =	sfence.sel $0xFFFF  }
0xc5: {  	[dreg:$0x0] =	wrdreg $0xFFFFFFFF;
	(pc) =	sbr.abs _section_cstart, $3  }
0xc6: {  	[dreg:$0x1] =	wrdreg $0xFFFFFFFF  }
0xc7: {  	_ =	task.clear_ibuf [dreg:s7], $0x2FFFF;
	_ =	strace $0x9FFFFFFF  }
0xc8: {  	(tm) =	ssettm $0x7FFFFFFF  }
0xc9: {  	_ =	shalt  }
tec
execute0_lowered:
.L_overlay_start_1:
0x0: {  	(tag) =	ssettag $0x1  }
0x1: {  	s2 =	rddreg [dreg:$0x0]  }
0x2: {  	s0 =	rddreg [dreg:$0x1];
	s4 =	srdreg.scid  }
0x3: {  	s1 =	stileid.u32;
	s3 =	simm.s32 $0x0;
	s15 =	simm.s32 $0x5  }
0x4: {  	s16 =	simm.s32 $0x100;
	s17 =	simm.s32 $0x200;
	s18 =	simm.s32 $0x20  }
0x5: {  	s19 =	simm.s32 $0x2140;
	s20 =	simm.s32 $0xA140;
	s21 =	simm.s32 $0x1  }
0x6: {  	s22 =	simm.s32 $0x3;
	s23 =	simm.s32 $0x40;
	s28 =	simm.s32 $0x80  }
0x7: {  	s29 =	simm.s32 $0xA0;
	s30 =	simm.s32 $0xC0;
	s31 =	simm.s32 $0xE0  }
0x8: {  	s4 =	sand.u32 $0x1, s4;
	s5 =	sshll.u32 s1, $0x1;
	[smem:$0x7FF] =	sst s3  }
0x9: {  	s7 =	sadd.s32 $0x1C00, s0;
	s5 =	sor.u32 s4, s5;
	_ =	strace $0x80000047  }
0xa: {  	[dreg:$0x3] =	wrdreg s7;
	s4 =	ssub.s32 $0x2, s4;
	s6 =	sshll.u32 s5, $0x5  }
0xb: {  	s24 =	sshll.u32 s5, $0xF;
	s5 =	sshll.u32 s5, $0x1;
	s25 =	sshrl.u32 s4, $0x1  }
0xc: {  	s6 =	sadd.s32 s6, s0;
	s12 =	sadd.s32 s24, s0;
	s0 =	sadd.s32 s5, s0  }
0xd: {  	s14 =	ssub.s32 s4, s25;
	s24 =	simm.s32 $0x2;
	s25 =	simm.s32 $0x4  }
0xe: {  	s26 =	sadd.s32 $0x1400, s6;
	s4 =	sadd.s32 $0x1800, s6;
	s5 =	sadd.s32 $0x2000, s12  }
0xf: {  	v0 =	vlaneseq.u32;
	s6 =	sadd.s32 $0x3000, s12;
	s7 =	sadd.s32 $0x4000, s12;
	s8 =	sadd.s32 $0x5000, s12  }
0x10: {  	v0 =	vmul.u32 $0x400, v0;
	s9 =	sadd.s32 $0x6000, s12;
	s10 =	sadd.s32 $0x7000, s12;
	s11 =	sadd.s32 $0x8000, s12  }
0x11: {  	s12 =	sadd.s32 $0x9000, s12;
	s13 =	sadd.s32 $0x102000, s0;
	s14 =	smax.u32 s14, $0x1  }
0x12: {  	v1 =	vor.u32 $0x4000, v0;
	s0 =	simm.s32 $0x12140;
	[dreg:$0x4] =	wrdreg s26;
	s26 =	simm.s32 $0x60  }
.LBB2_1:
0x13: {  	s1 =	rddreg [dreg:$0x4]  }
0x14: {  	[tilespmem:s3], [sflag:$0x5] =	stream.linear.gather [hbm4b:s1+s3], $0x100, $0x38;
	[tilespmem:$0x12150] =	vst v63  }
0x15: {  	_ =	swait.ge [sflag:s15], $0x100  }
0x16: {  	[sflag:s15] =	ssyncset.done $0x0  }
0x17: {  	[sflag:s15] =	ssyncadd.s32 $0xFFFFFF00  }
0x18: {  	[tilespmem:s16], [sflag:$0x5] =	stream.linear.gather [hbm4b:s4+s3], $0x100, $0x38;
	[tilespmem:$0x12150] =	vst v63  }
0x19: {  	_ =	swait.ge [sflag:s15], $0x100  }
0x1a: {  	[sflag:s15] =	ssyncset.done $0x0  }
0x1b: {  	s1 =	rddreg [dreg:$0x3];
	[sflag:s15] =	ssyncadd.s32 $0xFFFFFF00  }
0x1c: {  	[tilespmem:s17], [sflag:$0x5] =	stream.linear.gather [hbm4b:s1+s3], $0x1F40, $0x38;
	[tilespmem:$0x12150] =	vst v63  }
0x1d: {  	_ =	swait.ge [sflag:s15], $0x1F40  }
0x1e: {  	[sflag:s15] =	ssyncset.done $0x0  }
0x1f: {  	[sflag:s15] =	ssyncadd.s32 $0xFFFFE0C0  }
0x20: {  	[tilespmem:s19], [sflag:$0x1] =	stream.indirect.gather [hbm4b:s2+s18], $0x400, s3, s18, $0xb8;
	[tilespmem:$0x12150] =	vst v63  }
0x21: {  	_ = 	snop  }
0x22: {  	[tilespmem:s20], [sflag:$0x2] =	stream.indirect.gather [hbm4b:s2+s18], $0x400, s18, s18, $0xb8;
	[tilespmem:$0x12150] =	vst v63  }
0x23: {  	_ =	swait.ge [sflag:s21], $0x8000  }
0x24: {  	[sflag:s21] =	ssyncset.done $0x0  }
0x25: {  	[sflag:s21] =	ssyncadd.s32 $0xFFFF8000  }
0x26: {  	[hbm4b:s5+s3] =	stream.linear.scatter [tilespmem:s19], [sflag:$0x3], $0x8000, $0x38;
	[tilespmem:$0x12150] =	vst v63  }
0x27: {  	v2 =	vld [tilespmem:$0x100]  }
0x28: {  	v3 =	vld [tilespmem:$0x0]  }
0x29: {  	v4 =	vld [tilespmem:$0x110]  }
0x2a: {  	v5 =	vld [tilespmem:$0x10];
	_ =	sdelay $0x1  }
0x2b: {  	v2 =	vadd.s32 v0, v2  }
0x2c: {  	v3 =	vshll.u32 v3, $0x3  }
0x2d: {  	v4 =	vadd.s32 v1, v4  }
0x2e: {  	v5 =	vshll.u32 v5, $0x3;
	_ =	sdelay $0x1  }
0x2f: {  	v2 =	vld.idx.msk [tilespmem:v2+s19+$0x0], $0xffff  }
0x30: {  	v3 =	vld.idx.msk [tilespmem:v3+s17+$0x0], $0xffff  }
0x31: {  	v4 =	vld.idx.msk [tilespmem:v4+s19+$0x0], $0xffff  }
0x32: {  	v5 =	vld.idx.msk [tilespmem:v5+s17+$0x0], $0xffff;
	_ =	swait.ge [sflag:s22], $0x8000  }
0x33: {  	[sflag:s22] =	ssyncset.done $0x0  }
0x34: {  	[sflag:s22] =	ssyncadd.s32 $0xFFFF8000  }
0x35: {  	[tilespmem:s19], [sflag:$0x1] =	stream.indirect.gather [hbm4b:s2+s18], $0x400, s23, s18, $0xb8;
	[tilespmem:$0x12150] =	vst v63  }
0x36: {  	_ =	swait.ge [sflag:s24], $0x8000  }
0x37: {  	[sflag:s24] =	ssyncset.done $0x0  }
0x38: {  	[sflag:s24] =	ssyncadd.s32 $0xFFFF8000  }
0x39: {  	[hbm4b:s6+s3] =	stream.linear.scatter [tilespmem:s20], [sflag:$0x4], $0x8000, $0x38;
	[tilespmem:$0x12150] =	vst v63  }
0x3a: {  	v6 =	vld [tilespmem:$0x120]  }
0x3b: {  	v7 =	vld [tilespmem:$0x20]  }
0x3c: {  	v8 =	vld [tilespmem:$0x130]  }
0x3d: {  	v9 =	vld [tilespmem:$0x30];
	_ =	sdelay $0x1  }
0x3e: {  	v6 =	vadd.s32 v0, v6  }
0x3f: {  	v7 =	vshll.u32 v7, $0x3  }
0x40: {  	v8 =	vadd.s32 v1, v8  }
0x41: {  	v9 =	vshll.u32 v9, $0x3;
	_ =	sdelay $0x1  }
0x42: {  	v6 =	vld.idx.msk [tilespmem:v6+s20+$0x0], $0xffff  }
0x43: {  	v7 =	vld.idx.msk [tilespmem:v7+s17+$0x0], $0xffff  }
0x44: {  	v8 =	vld.idx.msk [tilespmem:v8+s20+$0x0], $0xffff  }
0x45: {  	v9 =	vld.idx.msk [tilespmem:v9+s17+$0x0], $0xffff;
	_ =	swait.ge [sflag:s25], $0x8000  }
0x46: {  	[sflag:s25] =	ssyncset.done $0x0  }
0x47: {  	[sflag:s25] =	ssyncadd.s32 $0xFFFF8000  }
0x48: {  	[tilespmem:s20], [sflag:$0x2] =	stream.indirect.gather [hbm4b:s2+s18], $0x400, s26, s18, $0xb8;
	[tilespmem:$0x12150] =	vst v63  }
0x49: {  	_ =	swait.ge [sflag:s21], $0x8000  }
0x4a: {  	[sflag:s21] =	ssyncset.done $0x0  }
0x4b: {  	[sflag:s21] =	ssyncadd.s32 $0xFFFF8000  }
0x4c: {  	[hbm4b:s7+s3] =	stream.linear.scatter [tilespmem:s19], [sflag:$0x3], $0x8000, $0x38;
	[tilespmem:$0x12150] =	vst v63  }
0x4d: {  	v10 =	vld [tilespmem:$0x140]  }
0x4e: {  	v11 =	vld [tilespmem:$0x40]  }
0x4f: {  	v12 =	vld [tilespmem:$0x150]  }
0x50: {  	v13 =	vld [tilespmem:$0x50];
	_ =	sdelay $0x1  }
0x51: {  	v10 =	vadd.s32 v0, v10  }
0x52: {  	v11 =	vshll.u32 v11, $0x3  }
0x53: {  	v12 =	vadd.s32 v1, v12  }
0x54: {  	v13 =	vshll.u32 v13, $0x3;
	_ =	sdelay $0x1  }
0x55: {  	v10 =	vld.idx.msk [tilespmem:v10+s19+$0x0], $0xffff  }
0x56: {  	v11 =	vld.idx.msk [tilespmem:v11+s17+$0x0], $0xffff  }
0x57: {  	v12 =	vld.idx.msk [tilespmem:v12+s19+$0x0], $0xffff  }
0x58: {  	v13 =	vld.idx.msk [tilespmem:v13+s17+$0x0], $0xffff;
	_ =	swait.ge [sflag:s22], $0x8000  }
0x59: {  	[sflag:s22] =	ssyncset.done $0x0  }
0x5a: {  	[sflag:s22] =	ssyncadd.s32 $0xFFFF8000  }
0x5b: {  	[tilespmem:s19], [sflag:$0x1] =	stream.indirect.gather [hbm4b:s2+s18], $0x400, s28, s18, $0xb8;
	[tilespmem:$0x12150] =	vst v63  }
0x5c: {  	_ =	swait.ge [sflag:s24], $0x8000  }
0x5d: {  	[sflag:s24] =	ssyncset.done $0x0  }
0x5e: {  	[sflag:s24] =	ssyncadd.s32 $0xFFFF8000  }
0x5f: {  	[hbm4b:s8+s3] =	stream.linear.scatter [tilespmem:s20], [sflag:$0x4], $0x8000, $0x38;
	[tilespmem:$0x12150] =	vst v63  }
0x60: {  	v14 =	vld [tilespmem:$0x160]  }
0x61: {  	v15 =	vld [tilespmem:$0x60]  }
0x62: {  	v16 =	vld [tilespmem:$0x170]  }
0x63: {  	v17 =	vld [tilespmem:$0x70];
	_ =	sdelay $0x1  }
0x64: {  	v14 =	vadd.s32 v0, v14  }
0x65: {  	v15 =	vshll.u32 v15, $0x3  }
0x66: {  	v16 =	vadd.s32 v1, v16  }
0x67: {  	v17 =	vshll.u32 v17, $0x3;
	_ =	sdelay $0x1  }
0x68: {  	v14 =	vld.idx.msk [tilespmem:v14+s20+$0x0], $0xffff  }
0x69: {  	v15 =	vld.idx.msk [tilespmem:v15+s17+$0x0], $0xffff  }
0x6a: {  	v16 =	vld.idx.msk [tilespmem:v16+s20+$0x0], $0xffff  }
0x6b: {  	v17 =	vld.idx.msk [tilespmem:v17+s17+$0x0], $0xffff;
	_ =	swait.ge [sflag:s25], $0x8000  }
0x6c: {  	[sflag:s25] =	ssyncset.done $0x0  }
0x6d: {  	[sflag:s25] =	ssyncadd.s32 $0xFFFF8000  }
0x6e: {  	[tilespmem:s20], [sflag:$0x2] =	stream.indirect.gather [hbm4b:s2+s18], $0x400, s29, s18, $0xb8;
	[tilespmem:$0x12150] =	vst v63  }
0x6f: {  	_ =	swait.ge [sflag:s21], $0x8000  }
0x70: {  	[sflag:s21] =	ssyncset.done $0x0  }
0x71: {  	[sflag:s21] =	ssyncadd.s32 $0xFFFF8000  }
0x72: {  	[hbm4b:s9+s3] =	stream.linear.scatter [tilespmem:s19], [sflag:$0x3], $0x8000, $0x38;
	[tilespmem:$0x12150] =	vst v63  }
0x73: {  	v18 =	vld [tilespmem:$0x180]  }
0x74: {  	v19 =	vld [tilespmem:$0x80]  }
0x75: {  	v20 =	vld [tilespmem:$0x190]  }
0x76: {  	v21 =	vld [tilespmem:$0x90];
	_ =	sdelay $0x1  }
0x77: {  	v18 =	vadd.s32 v0, v18  }
0x78: {  	v19 =	vshll.u32 v19, $0x3  }
0x79: {  	v20 =	vadd.s32 v1, v20  }
0x7a: {  	v21 =	vshll.u32 v21, $0x3;
	_ =	sdelay $0x1  }
0x7b: {  	v18 =	vld.idx.msk [tilespmem:v18+s19+$0x0], $0xffff  }
0x7c: {  	v19 =	vld.idx.msk [tilespmem:v19+s17+$0x0], $0xffff  }
0x7d: {  	v20 =	vld.idx.msk [tilespmem:v20+s19+$0x0], $0xffff  }
0x7e: {  	v21 =	vld.idx.msk [tilespmem:v21+s17+$0x0], $0xffff;
	_ =	swait.ge [sflag:s22], $0x8000  }
0x7f: {  	[sflag:s22] =	ssyncset.done $0x0  }
0x80: {  	[sflag:s22] =	ssyncadd.s32 $0xFFFF8000  }
0x81: {  	[tilespmem:s19], [sflag:$0x1] =	stream.indirect.gather [hbm4b:s2+s18], $0x400, s30, s18, $0xb8;
	[tilespmem:$0x12150] =	vst v63  }
0x82: {  	_ =	swait.ge [sflag:s24], $0x8000  }
0x83: {  	[sflag:s24] =	ssyncset.done $0x0  }
0x84: {  	[sflag:s24] =	ssyncadd.s32 $0xFFFF8000  }
0x85: {  	[hbm4b:s10+s3] =	stream.linear.scatter [tilespmem:s20], [sflag:$0x4], $0x8000, $0x38;
	[tilespmem:$0x12150] =	vst v63  }
0x86: {  	v22 =	vld [tilespmem:$0x1A0]  }
0x87: {  	v23 =	vld [tilespmem:$0xA0]  }
0x88: {  	v24 =	vld [tilespmem:$0x1B0]  }
0x89: {  	v25 =	vld [tilespmem:$0xB0];
	_ =	sdelay $0x1  }
0x8a: {  	v22 =	vadd.s32 v0, v22  }
0x8b: {  	v23 =	vshll.u32 v23, $0x3  }
0x8c: {  	v24 =	vadd.s32 v1, v24  }
0x8d: {  	v25 =	vshll.u32 v25, $0x3;
	_ =	sdelay $0x1  }
0x8e: {  	v22 =	vld.idx.msk [tilespmem:v22+s20+$0x0], $0xffff  }
0x8f: {  	v23 =	vld.idx.msk [tilespmem:v23+s17+$0x0], $0xffff  }
0x90: {  	v24 =	vld.idx.msk [tilespmem:v24+s20+$0x0], $0xffff  }
0x91: {  	v25 =	vld.idx.msk [tilespmem:v25+s17+$0x0], $0xffff;
	_ =	swait.ge [sflag:s25], $0x8000  }
0x92: {  	[sflag:s25] =	ssyncset.done $0x0  }
0x93: {  	[sflag:s25] =	ssyncadd.s32 $0xFFFF8000  }
0x94: {  	[tilespmem:s20], [sflag:$0x2] =	stream.indirect.gather [hbm4b:s2+s18], $0x400, s31, s18, $0xb8;
	[tilespmem:$0x12150] =	vst v63  }
0x95: {  	_ =	swait.ge [sflag:s21], $0x8000  }
0x96: {  	[sflag:s21] =	ssyncset.done $0x0  }
0x97: {  	[sflag:s21] =	ssyncadd.s32 $0xFFFF8000  }
0x98: {  	[hbm4b:s11+s3] =	stream.linear.scatter [tilespmem:s19], [sflag:$0x3], $0x8000, $0x38;
	[tilespmem:$0x12150] =	vst v63  }
0x99: {  	v26 =	vld [tilespmem:$0x1C0]  }
0x9a: {  	v27 =	vld [tilespmem:$0xC0]  }
0x9b: {  	v28 =	vld [tilespmem:$0x1D0]  }
0x9c: {  	v29 =	vld [tilespmem:$0xD0];
	_ =	sdelay $0x1  }
0x9d: {  	v2 =	vsub.f32 v3, v2;
	v26 =	vadd.s32 v0, v26  }
0x9e: {  	v27 =	vshll.u32 v27, $0x3  }
0x9f: {  	v4 =	vsub.f32 v5, v4;
	v2 =	vadd.f32 $0.0e+00, v2;
	v3 =	vadd.s32 v1, v28  }
0xa0: {  	v43 =	vshll.u32 v29, $0x3  }
0xa1: {  	v2 =	vadd.f32 v4, v2;
	v45 =	vsub.f32 v7, v6  }
0xa2: {  	v44 =	vld.idx.msk [tilespmem:v26+s19+$0x0], $0xffff  }
0xa3: {  	v47 =	vsub.f32 v9, v8;
	v2 =	vadd.f32 v45, v2;
	v46 =	vld.idx.msk [tilespmem:v27+s17+$0x0], $0xffff  }
0xa4: {  	v3 =	vld.idx.msk [tilespmem:v3+s19+$0x0], $0xffff  }
0xa5: {  	v2 =	vadd.f32 v47, v2;
	v49 =	vsub.f32 v11, v10;
	v48 =	vld.idx.msk [tilespmem:v43+s17+$0x0], $0xffff;
	_ =	swait.ge [sflag:s24], $0x8000  }
0xa6: {  	[sflag:s24] =	ssyncset.done $0x0  }
0xa7: {  	v50 =	vsub.f32 v13, v12;
	v2 =	vadd.f32 v49, v2;
	[sflag:s24] =	ssyncadd.s32 $0xFFFF8000  }
0xa8: {  	[hbm4b:s12+s3] =	stream.linear.scatter [tilespmem:s20], [sflag:$0x4], $0x8000, $0x38;
	[tilespmem:$0x12150] =	vst v63  }
0xa9: {  	v2 =	vadd.f32 v50, v2;
	v51 =	vsub.f32 v15, v14;
	v52 =	vld [tilespmem:$0x1E0]  }
0xaa: {  	v53 =	vld [tilespmem:$0xE0]  }
0xab: {  	v54 =	vsub.f32 v17, v16;
	v2 =	vadd.f32 v51, v2;
	v55 =	vld [tilespmem:$0x1F0]  }
0xac: {  	v56 =	vld [tilespmem:$0xF0]  }
0xad: {  	v2 =	vadd.f32 v54, v2;
	v57 =	vsub.f32 v19, v18  }
0xae: {  	v8 =	vadd.s32 v0, v52  }
0xaf: {  	v58 =	vsub.f32 v21, v20;
	v2 =	vadd.f32 v57, v2;
	v9 =	vshll.u32 v53, $0x3  }
0xb0: {  	v10 =	vadd.s32 v1, v55  }
0xb1: {  	v2 =	vadd.f32 v58, v2;
	v59 =	vsub.f32 v23, v22;
	v11 =	vshll.u32 v56, $0x3;
	_ =	sdelay $0x1  }
0xb2: {  	v60 =	vsub.f32 v25, v24;
	v2 =	vadd.f32 v59, v2;
	v8 =	vld.idx.msk [tilespmem:v8+s20+$0x0], $0xffff  }
0xb3: {  	v9 =	vld.idx.msk [tilespmem:v9+s17+$0x0], $0xffff  }
0xb4: {  	v2 =	vadd.f32 v60, v2;
	v61 =	vsub.f32 v46, v44;
	v62 =	vld.idx.msk [tilespmem:v10+s20+$0x0], $0xffff  }
0xb5: {  	v63 =	vld.idx.msk [tilespmem:v11+s17+$0x0], $0xffff  }
0xb6: {  	v3 =	vsub.f32 v48, v3;
	v2 =	vadd.f32 v61, v2;
	_ =	sdelay $0x1  }
0xb7: {  	v2 =	vadd.f32 v3, v2;
	_ =	swait.ge [sflag:s22], $0x8000;
	v3 =	vsub.f32 v9, v8  }
0xb8: {  	[sflag:s22] =	ssyncset.done $0x0  }
0xb9: {  	[sflag:s22] =	ssyncadd.s32 $0xFFFF8000;
	v2 =	vadd.f32 v3, v2;
	v3 =	vsub.f32 v63, v62  }
0xba: {  	_ =	swait.ge [sflag:s25], $0x8000  }
0xbb: {  	[sflag:s25] =	ssyncset.done $0x0;
	v2 =	vadd.f32 v3, v2  }
0xbc: {  	p0 =	sne.s32 s14, $0x1;
	[sflag:s25] =	ssyncadd.s32 $0xFFFF8000  }
.Ltmp0:
0xbd: {  	[tilespmem:$0x12140] =	vst v2;
	(pc) =	sbr.rel @p0 .LBB2_1-.Ltmp0, $4  }
0xbe: {  	[hbm4b:s13+s3] =	stream.linear.scatter [tilespmem:s0], [sflag:$0x5], $0x10, $0x38;
	[tilespmem:$0x12150] =	vst v63  }
0xbf: {  	_ =	swait.ge [sflag:s15], $0x10  }
0xc0: {  	[sflag:s15] =	ssyncset.done $0x0  }
0xc1: {  	s14 =	sadd.s32 $0xFFFFFFFF, s14;
	[sflag:s15] =	ssyncadd.s32 $0xFFFFFFF0  }
0xc2: {  	_ =	sfence.sel $0x180000  }
0xc3: {  	[bflag:$0x0] =	sbarrier.arrive $0xFFFF  }
0xc4: {  	_ =	strace $0x90000047  }
0xc5: {  	s0 =	stileid.u32;
	[bflag:$0x2] =	sbarrier.arrive $0xFFFF  }
0xc6: {  	p0 =	sne.s32 s0, $0x0;
	s0 =	rddreg [dreg:$0x2]  }
0xc7: {  	s0 =	sadd.s32 @!p0 $0x100000, s0  }
0xc8: {  	[sflag:s0] =	ssyncadd.tile.s32 @!p0 $0x1;
	_ =	shalt  }
.Lfunc_end2:
_tile_overlayer_lowered:
.L_overlay_start_2:
0xc9: {  	(tag) =	ssettag $0x2  }
0xca: {  	s0 =	rddreg [dreg:$0x0];
	s2 =	stileid.u32  }
0xcb: {  	s1 =	rddreg [dreg:$0x1];
	p0 =	sne.s32 s2, $0x0  }
0xcc: {  	s3 =	rddreg [dreg:$0x2];
	[bflag:$0x3] =	sbarrier.arrive $0xFFFF;
	s2 =	simm.s32 @!p0 $0x1C05  }
0xcd: {  	[timem:s3], [sflag:s2] =	dma.local @!p0 [hbm:s0], s1  }
0xce: {  	s0 =	simm.s32 @!p0 $0x5  }
0xcf: {  	_ =	swait.ge @!p0 [sflag:s0], s1  }
0xd0: {  	s1 =	ssub.s32 @!p0 $0x0, s1;
	[sflag:s0] =	ssyncset.done @!p0 $0x0  }
0xd1: {  	[sflag:s0] =	ssyncadd.s32 @!p0 s1  }
0xd2: {  	[bflag:$0x3] =	sbarrier.arrive $0xFFFF  }
0xd3: {  	_ =	shalt  }

</sc_bundles>
